<compile_context>
chip_gen: v7x
topology: tpu7x:2x2x1
jax: 0.10.2.dev20260603
libtpu: 0.0.44.dev20260713+nightly
codegen_flags: <defaults>
</compile_context>

<pallas_src>
import functools

import jax
import jax.numpy as jnp
from jax import lax
from jax.experimental import pallas as pl
from jax.experimental.pallas import tpu as pltpu
from jax.experimental.pallas import tpu_sc as plsc

_HIDDEN = 2048
_TOTAL = 16384
_NW = 32
_B_PER_W = _TOTAL // _NW
_CHUNK = 8
_NBUF = 4
_N_CHUNKS = _B_PER_W // _CHUNK
_N_GROUPS = _N_CHUNKS // _NBUF

_mesh = plsc.VectorSubcoreMesh(core_axis_name="c", subcore_axis_name="s")


@functools.partial(
    pl.kernel,
    mesh=_mesh,
    out_type=jax.ShapeDtypeStruct((4, 4096, _HIDDEN), jnp.float32),
    scratch_types=[
        pltpu.VMEM((_B_PER_W,), jnp.int32),
        pltpu.VMEM((_NBUF, _CHUNK, _HIDDEN), jnp.float32),
        pltpu.VMEM_SHARED((16, _CHUNK, _HIDDEN), jnp.float32),
        pltpu.SemaphoreType.DMA,
        pltpu.SemaphoreType.DMA,
        pltpu.SemaphoreType.DMA,
        pltpu.SemaphoreType.DMA,
        pltpu.SemaphoreType.DMA,
        pltpu.SemaphoreType.DMA,
        pltpu.SemaphoreType.DMA,
    ],
)
def _emb_lookup(tokens_hbm, lut_hbm, out_hbm, idx_v, rows_v, spm,
                g0, g1, g2, g3, w0, w1, dsem):
    wid = lax.axis_index("s") * 2 + lax.axis_index("c")
    tid = lax.axis_index("s")
    row = wid // 8
    col = (wid % 8) * _B_PER_W
    pltpu.sync_copy(tokens_hbm.at[row, pl.ds(col, _B_PER_W)], idx_v)

    gsems = [g0, g1, g2, g3]
    wsems = [w0, w1]

    def gather(c, b):
        return pltpu.make_async_copy(
            lut_hbm.at[idx_v.at[pl.ds(c * _CHUNK, _CHUNK)]],
            rows_v.at[b],
            gsems[b],
        )

    def stream_wb(c, b, sem):
        return pltpu.make_async_copy(
            rows_v.at[b],
            out_hbm.at[row, pl.ds(col + c * _CHUNK, _CHUNK)],
            sem,
        )

    def dma_wb(c):
        return pltpu.make_async_copy(
            spm.at[tid],
            out_hbm.at[row, pl.ds(col + c * _CHUNK, _CHUNK)],
            dsem,
        )

    for b in range(_NBUF):
        gather(b, b).start()

    def body(i, _):
        for k in range(_NBUF):
            c = i * _NBUF + k
            b = k
            gather(c, b).wait()
            if k % 2 == 0:
                sem = wsems[k // 2]
                stream_wb(c, b, sem).start()
                stream_wb(c, b, sem).wait()
            else:
                if k == 1:
                    @pl.when(i > 0)
                    def _():
                        dma_wb(c - 2).wait()
                else:
                    dma_wb(c - 2).wait()
                pltpu.sync_copy(rows_v.at[b], spm.at[tid])
                dma_wb(c).start()

            @pl.when(i < _N_GROUPS - 1)
            def _():
                gather(c + _NBUF, b).start()

        return 0

    lax.fori_loop(0, _N_GROUPS, body, 0)
    dma_wb(_N_CHUNKS - 1).wait()


def kernel(tokens, lut):
    return _emb_lookup(tokens.astype(jnp.int32), lut)

# --- scband reference (transcript-rebuilt; emitter-appended) ---
"""Pipeline reference for scband-token-embeddings-58128087384351 (READ-ONLY COPY).

The authoritative reference and input builder live on the scoring server;
editing this copy changes nothing except your own understanding.
"""

import jax, jax.numpy as jnp
import numpy as np

VOCAB_SIZE = 100000
HIDDEN_SIZE = 2048
BATCH = 4
SEQ_LEN = 4096


def setup_inputs(seed: int = 0) -> dict:
    key = jax.random.key(seed)
    k_tok, k_lut = jax.random.split(key)
    tokens = jax.random.randint(k_tok, (BATCH, SEQ_LEN), 0, VOCAB_SIZE, dtype=jnp.int64 if jax.config.jax_enable_x64 else jnp.int32)
    lut = jax.random.normal(k_lut, (VOCAB_SIZE, HIDDEN_SIZE), dtype=jnp.float32) * 0.02
    return {"tokens": tokens, "lut": lut}


def reference(tokens, lut):
    # nn.Embedding forward: row-gather from the embedding table
    return jnp.take(lut, tokens, axis=0)

if __name__ == "__main__":
    import jax
    _d = setup_inputs()
    print(jax.jit(kernel)(*tuple(_d.values())))

</pallas_src>

<mosaic_0001>
#map = affine_map<(d0, d1) -> (0, 0)>
#map1 = affine_map<(d0, d1) -> (0, 0, 0)>
module attributes {stable_mosaic.version = 14 : i64} {
  func.func @_emb_lookup(%arg0: i32, %arg1: i32, %arg2: memref<4x4096xi32, #tpu.memory_space<hbm>>, %arg3: memref<100000x2048xf32, #tpu.memory_space<hbm>>, %arg4: memref<4x4096x2048xf32, #tpu.memory_space<hbm>>, %arg5: memref<512xi32, #tpu.memory_space<vmem>>, %arg6: memref<4x8x2048xf32, #tpu.memory_space<vmem>>, %arg7: memref<16x8x2048xf32, #tpu.memory_space<vmem_shared>>, %arg8: memref<!tpu.dma_semaphore, #tpu.memory_space<semaphore_mem>>, %arg9: memref<!tpu.dma_semaphore, #tpu.memory_space<semaphore_mem>>, %arg10: memref<!tpu.dma_semaphore, #tpu.memory_space<semaphore_mem>>, %arg11: memref<!tpu.dma_semaphore, #tpu.memory_space<semaphore_mem>>, %arg12: memref<!tpu.dma_semaphore, #tpu.memory_space<semaphore_mem>>, %arg13: memref<!tpu.dma_semaphore, #tpu.memory_space<semaphore_mem>>, %arg14: memref<!tpu.dma_semaphore, #tpu.memory_space<semaphore_mem>>) attributes {dimension_semantics = [#tpu.dimension_semantics<core_parallel>, #tpu.dimension_semantics<subcore_parallel>], iteration_bounds = array<i64: 2, 16>, scalar_prefetch = 0 : i64, scratch_operands = 10 : i64, tpu.core_type = #tpu.core_type<sc_vector_subcore>, window_params = [{transform_indices = #map}, {transform_indices = #map}, {transform_indices = #map1}]} {
    %mul3A = arith.constant 2 : i32
    %mul3A_0 = arith.muli %arg1, %mul3A : i32
    %add3A = arith.addi %mul3A_0, %arg0 : i32
    %jit3A = arith.constant 8 : i32
    %div3A = arith.divsi %add3A, %jit3A : i32
    %sign3A = arith.constant 0 : i32
    %sign3A_1 = arith.cmpi sgt, %add3A, %sign3A : i32
    %sign3A_2 = arith.extui %sign3A_1 : i1 to i32
    %sign3A_3 = arith.constant 0 : i32
    %sign3A_4 = arith.cmpi slt, %add3A, %sign3A_3 : i32
    %sign3A_5 = arith.extui %sign3A_4 : i1 to i32
    %sign3A_6 = arith.subi %sign3A_2, %sign3A_5 : i32
    %sign3A_7 = arith.constant 0 : i32
    %sign3A_8 = arith.cmpi sgt, %jit3A, %sign3A_7 : i32
    %sign3A_9 = arith.extui %sign3A_8 : i1 to i32
    %sign3A_10 = arith.constant 0 : i32
    %sign3A_11 = arith.cmpi slt, %jit3A, %sign3A_10 : i32
    %sign3A_12 = arith.extui %sign3A_11 : i1 to i32
    %sign3A_13 = arith.subi %sign3A_9, %sign3A_12 : i32
    %ne3A = arith.cmpi ne, %sign3A_6, %sign3A_13 : i32
    %rem3A = arith.remsi %add3A, %jit3A : i32
    %ne3A_14 = arith.constant 0 : i32
    %ne3A_15 = arith.cmpi ne, %rem3A, %ne3A_14 : i32
    %and3A = arith.andi %ne3A, %ne3A_15 : i1
    %sub3A = arith.constant 1 : i32
    %sub3A_16 = arith.subi %div3A, %sub3A : i32
    %select_n3A = arith.select %and3A, %sub3A_16, %div3A : i32
    %jit3A_17 = arith.constant 8 : i32
    %eq3A = arith.constant 0 : i32
    %eq3A_18 = arith.cmpi eq, %jit3A_17, %eq3A : i32
    %jit3A_19 = arith.constant 1 : i32
    %select_n3A_20 = arith.select %eq3A_18, %jit3A_19, %jit3A_17 : i32
    %rem3A_21 = arith.remsi %add3A, %select_n3A_20 : i32
    %ne3A_22 = arith.constant 0 : i32
    %ne3A_23 = arith.cmpi ne, %rem3A_21, %ne3A_22 : i32
    %lt3A = arith.constant 0 : i32
    %lt3A_24 = arith.cmpi slt, %rem3A_21, %lt3A : i32
    %lt3A_25 = arith.constant 0 : i32
    %lt3A_26 = arith.cmpi slt, %select_n3A_20, %lt3A_25 : i32
    %ne3A_27 = arith.xori %lt3A_24, %lt3A_26 : i1
    %and3A_28 = arith.andi %ne3A_27, %ne3A_23 : i1
    %add3A_29 = arith.addi %rem3A_21, %select_n3A_20 : i32
    %select_n3A_30 = arith.select %and3A_28, %add3A_29, %rem3A_21 : i32
    %mul3A_31 = arith.constant 512 : i32
    %mul3A_32 = arith.muli %select_n3A_30, %mul3A_31 : i32
    "tpu.region"() ({
      %run_scoped3A = tpu.sem_alloc : memref<!tpu.dma_semaphore, #tpu.memory_space<semaphore_mem>>
      %dma_start3A_86 = tpu.memref_slice %arg2[%select_n3A, %mul3A_32] : memref<4x4096xi32, #tpu.memory_space<hbm>> -> memref<1x512xi32, #tpu.memory_space<hbm>>
      %dma_start3A_87 = tpu.memref_squeeze %dma_start3A_86 : memref<1x512xi32, #tpu.memory_space<hbm>> -> memref<512xi32, #tpu.memory_space<hbm>>
      %dma_start3A_88 = tpu.memref_slice %arg2[%select_n3A, %mul3A_32] : memref<4x4096xi32, #tpu.memory_space<hbm>> -> memref<1x512xi32, #tpu.memory_space<hbm>>
      %dma_start3A_89 = tpu.memref_squeeze %dma_start3A_88 : memref<1x512xi32, #tpu.memory_space<hbm>> -> memref<512xi32, #tpu.memory_space<hbm>>
      tpu.enqueue_dma source(%dma_start3A_89 : memref<512xi32, #tpu.memory_space<hbm>>) target(%arg5 : memref<512xi32, #tpu.memory_space<vmem>>) target_semaphore(%run_scoped3A : memref<!tpu.dma_semaphore, #tpu.memory_space<semaphore_mem>>)
      %dma_wait3A_90 = tpu.memref_slice %arg2[%select_n3A, %mul3A_32] : memref<4x4096xi32, #tpu.memory_space<hbm>> -> memref<1x512xi32, #tpu.memory_space<hbm>>
      %dma_wait3A_91 = tpu.memref_squeeze %dma_wait3A_90 : memref<1x512xi32, #tpu.memory_space<hbm>> -> memref<512xi32, #tpu.memory_space<hbm>>
      %dma_wait3A_92 = tpu.memref_slice %arg2[%select_n3A, %mul3A_32] : memref<4x4096xi32, #tpu.memory_space<hbm>> -> memref<1x512xi32, #tpu.memory_space<hbm>>
      %dma_wait3A_93 = tpu.memref_squeeze %dma_wait3A_92 : memref<1x512xi32, #tpu.memory_space<hbm>> -> memref<512xi32, #tpu.memory_space<hbm>>
      tpu.wait_dma2 semaphore(%run_scoped3A : memref<!tpu.dma_semaphore, #tpu.memory_space<semaphore_mem>>) src(%dma_wait3A_93 : memref<512xi32, #tpu.memory_space<hbm>>) dst(%arg5 : memref<512xi32, #tpu.memory_space<vmem>>)
      tpu.yield
    }) : () -> ()
    %dma_start3A = arith.constant 0 : i32
    %dma_start3A_33 = arith.constant 0 : i32
    %dma_start3A_34 = arith.constant 0 : i32
    %dma_start3A_35 = tpu.memref_slice %arg6[%dma_start3A, %dma_start3A_33, %dma_start3A_34] : memref<4x8x2048xf32, #tpu.memory_space<vmem>> -> memref<1x8x2048xf32, #tpu.memory_space<vmem>>
    %dma_start3A_36 = tpu.memref_squeeze %dma_start3A_35 : memref<1x8x2048xf32, #tpu.memory_space<vmem>> -> memref<8x2048xf32, #tpu.memory_space<vmem>>
    %dma_start3A_37 = arith.constant 0 : i32
    %dma_start3A_38 = tpu.memref_slice %arg5[%dma_start3A_37] : memref<512xi32, #tpu.memory_space<vmem>> -> memref<8xi32, #tpu.memory_space<vmem>>
    %dma_start3A_39 = arith.constant 0 : i32
    %dma_start3A_40 = arith.constant 0 : i32
    %dma_start3A_41 = tpu.memref_slice %arg3[%dma_start3A_39, %dma_start3A_40] : memref<100000x2048xf32, #tpu.memory_space<hbm>> -> memref<100000x2048xf32, #tpu.memory_space<hbm>>
    tpu.enqueue_indirect_dma source(%dma_start3A_41 : memref<100000x2048xf32, #tpu.memory_space<hbm>>) target(%dma_start3A_36 : memref<8x2048xf32, #tpu.memory_space<vmem>>) offsets(%dma_start3A_38 : memref<8xi32, #tpu.memory_space<vmem>>) semaphore(%arg8 : memref<!tpu.dma_semaphore, #tpu.memory_space<semaphore_mem>>)
    %dma_start3A_42 = arith.constant 1 : i32
    %dma_start3A_43 = arith.constant 0 : i32
    %dma_start3A_44 = arith.constant 0 : i32
    %dma_start3A_45 = tpu.memref_slice %arg6[%dma_start3A_42, %dma_start3A_43, %dma_start3A_44] : memref<4x8x2048xf32, #tpu.memory_space<vmem>> -> memref<1x8x2048xf32, #tpu.memory_space<vmem>>
    %dma_start3A_46 = tpu.memref_squeeze %dma_start3A_45 : memref<1x8x2048xf32, #tpu.memory_space<vmem>> -> memref<8x2048xf32, #tpu.memory_space<vmem>>
    %dma_start3A_47 = arith.constant 8 : i32
    %dma_start3A_48 = tpu.memref_slice %arg5[%dma_start3A_47] : memref<512xi32, #tpu.memory_space<vmem>> -> memref<8xi32, #tpu.memory_space<vmem>>
    %dma_start3A_49 = arith.constant 0 : i32
    %dma_start3A_50 = arith.constant 0 : i32
    %dma_start3A_51 = tpu.memref_slice %arg3[%dma_start3A_49, %dma_start3A_50] : memref<100000x2048xf32, #tpu.memory_space<hbm>> -> memref<100000x2048xf32, #tpu.memory_space<hbm>>
    tpu.enqueue_indirect_dma source(%dma_start3A_51 : memref<100000x2048xf32, #tpu.memory_space<hbm>>) target(%dma_start3A_46 : memref<8x2048xf32, #tpu.memory_space<vmem>>) offsets(%dma_start3A_48 : memref<8xi32, #tpu.memory_space<vmem>>) semaphore(%arg9 : memref<!tpu.dma_semaphore, #tpu.memory_space<semaphore_mem>>)
    %dma_start3A_52 = arith.constant 2 : i32
    %dma_start3A_53 = arith.constant 0 : i32
    %dma_start3A_54 = arith.constant 0 : i32
    %dma_start3A_55 = tpu.memref_slice %arg6[%dma_start3A_52, %dma_start3A_53, %dma_start3A_54] : memref<4x8x2048xf32, #tpu.memory_space<vmem>> -> memref<1x8x2048xf32, #tpu.memory_space<vmem>>
    %dma_start3A_56 = tpu.memref_squeeze %dma_start3A_55 : memref<1x8x2048xf32, #tpu.memory_space<vmem>> -> memref<8x2048xf32, #tpu.memory_space<vmem>>
    %dma_start3A_57 = arith.constant 16 : i32
    %dma_start3A_58 = tpu.memref_slice %arg5[%dma_start3A_57] : memref<512xi32, #tpu.memory_space<vmem>> -> memref<8xi32, #tpu.memory_space<vmem>>
    %dma_start3A_59 = arith.constant 0 : i32
    %dma_start3A_60 = arith.constant 0 : i32
    %dma_start3A_61 = tpu.memref_slice %arg3[%dma_start3A_59, %dma_start3A_60] : memref<100000x2048xf32, #tpu.memory_space<hbm>> -> memref<100000x2048xf32, #tpu.memory_space<hbm>>
    tpu.enqueue_indirect_dma source(%dma_start3A_61 : memref<100000x2048xf32, #tpu.memory_space<hbm>>) target(%dma_start3A_56 : memref<8x2048xf32, #tpu.memory_space<vmem>>) offsets(%dma_start3A_58 : memref<8xi32, #tpu.memory_space<vmem>>) semaphore(%arg10 : memref<!tpu.dma_semaphore, #tpu.memory_space<semaphore_mem>>)
    %dma_start3A_62 = arith.constant 3 : i32
    %dma_start3A_63 = arith.constant 0 : i32
    %dma_start3A_64 = arith.constant 0 : i32
    %dma_start3A_65 = tpu.memref_slice %arg6[%dma_start3A_62, %dma_start3A_63, %dma_start3A_64] : memref<4x8x2048xf32, #tpu.memory_space<vmem>> -> memref<1x8x2048xf32, #tpu.memory_space<vmem>>
    %dma_start3A_66 = tpu.memref_squeeze %dma_start3A_65 : memref<1x8x2048xf32, #tpu.memory_space<vmem>> -> memref<8x2048xf32, #tpu.memory_space<vmem>>
    %dma_start3A_67 = arith.constant 24 : i32
    %dma_start3A_68 = tpu.memref_slice %arg5[%dma_start3A_67] : memref<512xi32, #tpu.memory_space<vmem>> -> memref<8xi32, #tpu.memory_space<vmem>>
    %dma_start3A_69 = arith.constant 0 : i32
    %dma_start3A_70 = arith.constant 0 : i32
    %dma_start3A_71 = tpu.memref_slice %arg3[%dma_start3A_69, %dma_start3A_70] : memref<100000x2048xf32, #tpu.memory_space<hbm>> -> memref<100000x2048xf32, #tpu.memory_space<hbm>>
    tpu.enqueue_indirect_dma source(%dma_start3A_71 : memref<100000x2048xf32, #tpu.memory_space<hbm>>) target(%dma_start3A_66 : memref<8x2048xf32, #tpu.memory_space<vmem>>) offsets(%dma_start3A_68 : memref<8xi32, #tpu.memory_space<vmem>>) semaphore(%arg11 : memref<!tpu.dma_semaphore, #tpu.memory_space<semaphore_mem>>)
    %scan3A = arith.constant 0 : i32
    %scan3A_72 = arith.constant 0 : i32
    %scan3A_73 = arith.constant 16 : i32
    %scan3A_74 = arith.addi %scan3A_72, %scan3A_73 : i32
    %scan3A_75 = arith.constant 1 : i32
    %scan3A_76 = scf.for %scan3A_86 = %scan3A_72 to %scan3A_74 step %scan3A_75 iter_args(%scan3A_87 = %scan3A) -> (i32)  : i32 {
      %mul3A_88 = arith.constant 4 : i32
      %mul3A_89 = arith.muli %scan3A_86, %mul3A_88 : i32
      %add3A_90 = arith.constant 0 : i32
      %add3A_91 = arith.addi %mul3A_89, %add3A_90 : i32
      %mul3A_92 = arith.constant 8 : i32
      %mul3A_93 = arith.muli %add3A_91, %mul3A_92 : i32
      %dma_wait3A_94 = arith.constant 0 : i32
      %dma_wait3A_95 = arith.constant 0 : i32
      %dma_wait3A_96 = arith.constant 0 : i32
      %dma_wait3A_97 = tpu.memref_slice %arg6[%dma_wait3A_94, %dma_wait3A_95, %dma_wait3A_96] : memref<4x8x2048xf32, #tpu.memory_space<vmem>> -> memref<1x8x2048xf32, #tpu.memory_space<vmem>>
      %dma_wait3A_98 = tpu.memref_squeeze %dma_wait3A_97 : memref<1x8x2048xf32, #tpu.memory_space<vmem>> -> memref<8x2048xf32, #tpu.memory_space<vmem>>
      %dma_wait3A_99 = tpu.memref_slice %arg5[%mul3A_93] : memref<512xi32, #tpu.memory_space<vmem>> -> memref<8xi32, #tpu.memory_space<vmem>>
      %dma_wait3A_100 = arith.constant 0 : i32
      %dma_wait3A_101 = arith.constant 0 : i32
      %dma_wait3A_102 = tpu.memref_slice %arg3[%dma_wait3A_100, %dma_wait3A_101] : memref<100000x2048xf32, #tpu.memory_space<hbm>> -> memref<100000x2048xf32, #tpu.memory_space<hbm>>
      tpu.wait_indirect_dma semaphore(%arg8 : memref<!tpu.dma_semaphore, #tpu.memory_space<semaphore_mem>>) src(%dma_wait3A_102 : memref<100000x2048xf32, #tpu.memory_space<hbm>>) dst(%dma_wait3A_98 : memref<8x2048xf32, #tpu.memory_space<vmem>>)
      %mul3A_103 = arith.constant 8 : i32
      %mul3A_104 = arith.muli %add3A_91, %mul3A_103 : i32
      %add3A_105 = arith.addi %mul3A_32, %mul3A_104 : i32
      %dma_start3A_106 = arith.constant 0 : i32
      %dma_start3A_107 = arith.constant 0 : i32
      %dma_start3A_108 = arith.constant 0 : i32
      %dma_start3A_109 = tpu.memref_slice %arg6[%dma_start3A_106, %dma_start3A_107, %dma_start3A_108] : memref<4x8x2048xf32, #tpu.memory_space<vmem>> -> memref<1x8x2048xf32, #tpu.memory_space<vmem>>
      %dma_start3A_110 = tpu.memref_squeeze %dma_start3A_109 : memref<1x8x2048xf32, #tpu.memory_space<vmem>> -> memref<8x2048xf32, #tpu.memory_space<vmem>>
      %dma_start3A_111 = arith.constant 0 : i32
      %dma_start3A_112 = tpu.memref_slice %arg4[%select_n3A, %add3A_105, %dma_start3A_111] : memref<4x4096x2048xf32, #tpu.memory_space<hbm>> -> memref<1x8x2048xf32, #tpu.memory_space<hbm>>
      %dma_start3A_113 = tpu.memref_squeeze %dma_start3A_112 : memref<1x8x2048xf32, #tpu.memory_space<hbm>> -> memref<8x2048xf32, #tpu.memory_space<hbm>>
      %dma_start3A_114 = arith.constant 0 : i32
      %dma_start3A_115 = tpu.memref_slice %arg4[%select_n3A, %add3A_105, %dma_start3A_114] : memref<4x4096x2048xf32, #tpu.memory_space<hbm>> -> memref<1x8x2048xf32, #tpu.memory_space<hbm>>
      %dma_start3A_116 = tpu.memref_squeeze %dma_start3A_115 : memref<1x8x2048xf32, #tpu.memory_space<hbm>> -> memref<8x2048xf32, #tpu.memory_space<hbm>>
      %dma_start3A_117 = arith.constant 0 : i32
      %dma_start3A_118 = arith.constant 0 : i32
      %dma_start3A_119 = tpu.memref_slice %arg6[%dma_start3A_106, %dma_start3A_117, %dma_start3A_118] : memref<4x8x2048xf32, #tpu.memory_space<vmem>> -> memref<1x8x2048xf32, #tpu.memory_space<vmem>>
      %dma_start3A_120 = tpu.memref_squeeze %dma_start3A_119 : memref<1x8x2048xf32, #tpu.memory_space<vmem>> -> memref<8x2048xf32, #tpu.memory_space<vmem>>
      tpu.enqueue_dma source(%dma_start3A_120 : memref<8x2048xf32, #tpu.memory_space<vmem>>) target(%dma_start3A_116 : memref<8x2048xf32, #tpu.memory_space<hbm>>) target_semaphore(%arg12 : memref<!tpu.dma_semaphore, #tpu.memory_space<semaphore_mem>>)
      %mul3A_121 = arith.constant 8 : i32
      %mul3A_122 = arith.muli %add3A_91, %mul3A_121 : i32
      %add3A_123 = arith.addi %mul3A_32, %mul3A_122 : i32
      %dma_wait3A_124 = arith.constant 0 : i32
      %dma_wait3A_125 = arith.constant 0 : i32
      %dma_wait3A_126 = arith.constant 0 : i32
      %dma_wait3A_127 = tpu.memref_slice %arg6[%dma_wait3A_124, %dma_wait3A_125, %dma_wait3A_126] : memref<4x8x2048xf32, #tpu.memory_space<vmem>> -> memref<1x8x2048xf32, #tpu.memory_space<vmem>>
      %dma_wait3A_128 = tpu.memref_squeeze %dma_wait3A_127 : memref<1x8x2048xf32, #tpu.memory_space<vmem>> -> memref<8x2048xf32, #tpu.memory_space<vmem>>
      %dma_wait3A_129 = arith.constant 0 : i32
      %dma_wait3A_130 = tpu.memref_slice %arg4[%select_n3A, %add3A_123, %dma_wait3A_129] : memref<4x4096x2048xf32, #tpu.memory_space<hbm>> -> memref<1x8x2048xf32, #tpu.memory_space<hbm>>
      %dma_wait3A_131 = tpu.memref_squeeze %dma_wait3A_130 : memref<1x8x2048xf32, #tpu.memory_space<hbm>> -> memref<8x2048xf32, #tpu.memory_space<hbm>>
      %dma_wait3A_132 = arith.constant 0 : i32
      %dma_wait3A_133 = tpu.memref_slice %arg4[%select_n3A, %add3A_123, %dma_wait3A_132] : memref<4x4096x2048xf32, #tpu.memory_space<hbm>> -> memref<1x8x2048xf32, #tpu.memory_space<hbm>>
      %dma_wait3A_134 = tpu.memref_squeeze %dma_wait3A_133 : memref<1x8x2048xf32, #tpu.memory_space<hbm>> -> memref<8x2048xf32, #tpu.memory_space<hbm>>
      %dma_wait3A_135 = arith.constant 0 : i32
      %dma_wait3A_136 = arith.constant 0 : i32
      %dma_wait3A_137 = tpu.memref_slice %arg6[%dma_wait3A_124, %dma_wait3A_135, %dma_wait3A_136] : memref<4x8x2048xf32, #tpu.memory_space<vmem>> -> memref<1x8x2048xf32, #tpu.memory_space<vmem>>
      %dma_wait3A_138 = tpu.memref_squeeze %dma_wait3A_137 : memref<1x8x2048xf32, #tpu.memory_space<vmem>> -> memref<8x2048xf32, #tpu.memory_space<vmem>>
      tpu.wait_dma2 semaphore(%arg12 : memref<!tpu.dma_semaphore, #tpu.memory_space<semaphore_mem>>) src(%dma_wait3A_138 : memref<8x2048xf32, #tpu.memory_space<vmem>>) dst(%dma_wait3A_134 : memref<8x2048xf32, #tpu.memory_space<hbm>>)
      %lt3A_139 = arith.constant 15 : i32
      %lt3A_140 = arith.cmpi slt, %scan3A_86, %lt3A_139 : i32
      %convert_element_type3A = arith.extui %lt3A_140 : i1 to i32
      %cond3A = arith.constant 0 : i32
      %cond3A_141 = arith.cmpi ne, %convert_element_type3A, %cond3A : i32
      scf.if %cond3A_141 {
        %add3A_276 = arith.constant 4 : i32
        %add3A_277 = arith.addi %add3A_91, %add3A_276 : i32
        %mul3A_278 = arith.constant 8 : i32
        %mul3A_279 = arith.muli %add3A_277, %mul3A_278 : i32
        %dma_start3A_280 = arith.constant 0 : i32
        %dma_start3A_281 = arith.constant 0 : i32
        %dma_start3A_282 = arith.constant 0 : i32
        %dma_start3A_283 = tpu.memref_slice %arg6[%dma_start3A_280, %dma_start3A_281, %dma_start3A_282] : memref<4x8x2048xf32, #tpu.memory_space<vmem>> -> memref<1x8x2048xf32, #tpu.memory_space<vmem>>
        %dma_start3A_284 = tpu.memref_squeeze %dma_start3A_283 : memref<1x8x2048xf32, #tpu.memory_space<vmem>> -> memref<8x2048xf32, #tpu.memory_space<vmem>>
        %dma_start3A_285 = tpu.memref_slice %arg5[%mul3A_279] : memref<512xi32, #tpu.memory_space<vmem>> -> memref<8xi32, #tpu.memory_space<vmem>>
        %dma_start3A_286 = arith.constant 0 : i32
        %dma_start3A_287 = arith.constant 0 : i32
        %dma_start3A_288 = tpu.memref_slice %arg3[%dma_start3A_286, %dma_start3A_287] : memref<100000x2048xf32, #tpu.memory_space<hbm>> -> memref<100000x2048xf32, #tpu.memory_space<hbm>>
        tpu.enqueue_indirect_dma source(%dma_start3A_288 : memref<100000x2048xf32, #tpu.memory_space<hbm>>) target(%dma_start3A_284 : memref<8x2048xf32, #tpu.memory_space<vmem>>) offsets(%dma_start3A_285 : memref<8xi32, #tpu.memory_space<vmem>>) semaphore(%arg8 : memref<!tpu.dma_semaphore, #tpu.memory_space<semaphore_mem>>)
      } else {
      }
      %mul3A_142 = arith.constant 4 : i32
      %mul3A_143 = arith.muli %scan3A_86, %mul3A_142 : i32
      %add3A_144 = arith.constant 1 : i32
      %add3A_145 = arith.addi %mul3A_143, %add3A_144 : i32
      %mul3A_146 = arith.constant 8 : i32
      %mul3A_147 = arith.muli %add3A_145, %mul3A_146 : i32
      %dma_wait3A_148 = arith.constant 1 : i32
      %dma_wait3A_149 = arith.constant 0 : i32
      %dma_wait3A_150 = arith.constant 0 : i32
      %dma_wait3A_151 = tpu.memref_slice %arg6[%dma_wait3A_148, %dma_wait3A_149, %dma_wait3A_150] : memref<4x8x2048xf32, #tpu.memory_space<vmem>> -> memref<1x8x2048xf32, #tpu.memory_space<vmem>>
      %dma_wait3A_152 = tpu.memref_squeeze %dma_wait3A_151 : memref<1x8x2048xf32, #tpu.memory_space<vmem>> -> memref<8x2048xf32, #tpu.memory_space<vmem>>
      %dma_wait3A_153 = tpu.memref_slice %arg5[%mul3A_147] : memref<512xi32, #tpu.memory_space<vmem>> -> memref<8xi32, #tpu.memory_space<vmem>>
      %dma_wait3A_154 = arith.constant 0 : i32
      %dma_wait3A_155 = arith.constant 0 : i32
      %dma_wait3A_156 = tpu.memref_slice %arg3[%dma_wait3A_154, %dma_wait3A_155] : memref<100000x2048xf32, #tpu.memory_space<hbm>> -> memref<100000x2048xf32, #tpu.memory_space<hbm>>
      tpu.wait_indirect_dma semaphore(%arg9 : memref<!tpu.dma_semaphore, #tpu.memory_space<semaphore_mem>>) src(%dma_wait3A_156 : memref<100000x2048xf32, #tpu.memory_space<hbm>>) dst(%dma_wait3A_152 : memref<8x2048xf32, #tpu.memory_space<vmem>>)
      %gt3A = arith.constant 0 : i32
      %gt3A_157 = arith.cmpi sgt, %scan3A_86, %gt3A : i32
      %convert_element_type3A_158 = arith.extui %gt3A_157 : i1 to i32
      %cond3A_159 = arith.constant 0 : i32
      %cond3A_160 = arith.cmpi ne, %convert_element_type3A_158, %cond3A_159 : i32
      scf.if %cond3A_160 {
        %sub3A_276 = arith.constant 2 : i32
        %sub3A_277 = arith.subi %add3A_145, %sub3A_276 : i32
        %mul3A_278 = arith.constant 8 : i32
        %mul3A_279 = arith.muli %sub3A_277, %mul3A_278 : i32
        %add3A_280 = arith.addi %mul3A_32, %mul3A_279 : i32
        %dma_wait3A_281 = arith.constant 0 : i32
        %dma_wait3A_282 = tpu.memref_slice %arg4[%select_n3A, %add3A_280, %dma_wait3A_281] : memref<4x4096x2048xf32, #tpu.memory_space<hbm>> -> memref<1x8x2048xf32, #tpu.memory_space<hbm>>
        %dma_wait3A_283 = tpu.memref_squeeze %dma_wait3A_282 : memref<1x8x2048xf32, #tpu.memory_space<hbm>> -> memref<8x2048xf32, #tpu.memory_space<hbm>>
        %dma_wait3A_284 = arith.constant 0 : i32
        %dma_wait3A_285 = arith.constant 0 : i32
        %dma_wait3A_286 = tpu.memref_slice %arg7[%arg1, %dma_wait3A_284, %dma_wait3A_285] : memref<16x8x2048xf32, #tpu.memory_space<vmem_shared>> -> memref<1x8x2048xf32, #tpu.memory_space<vmem_shared>>
        %dma_wait3A_287 = tpu.memref_squeeze %dma_wait3A_286 : memref<1x8x2048xf32, #tpu.memory_space<vmem_shared>> -> memref<8x2048xf32, #tpu.memory_space<vmem_shared>>
        tpu.wait_dma2 semaphore(%arg14 : memref<!tpu.dma_semaphore, #tpu.memory_space<semaphore_mem>>) src(%dma_wait3A_287 : memref<8x2048xf32, #tpu.memory_space<vmem_shared>>) dst(%dma_wait3A_283 : memref<8x2048xf32, #tpu.memory_space<hbm>>)
      } else {
      }
      %run_scoped3A = arith.constant 1 : i32
      "tpu.region"() ({
        %run_scoped3A_276 = tpu.sem_alloc : memref<!tpu.dma_semaphore, #tpu.memory_space<semaphore_mem>>
        %dma_start3A_277 = arith.constant 0 : i32
        %dma_start3A_278 = arith.constant 0 : i32
        %dma_start3A_279 = tpu.memref_slice %arg6[%run_scoped3A, %dma_start3A_277, %dma_start3A_278] : memref<4x8x2048xf32, #tpu.memory_space<vmem>> -> memref<1x8x2048xf32, #tpu.memory_space<vmem>>
        %dma_start3A_280 = tpu.memref_squeeze %dma_start3A_279 : memref<1x8x2048xf32, #tpu.memory_space<vmem>> -> memref<8x2048xf32, #tpu.memory_space<vmem>>
        %dma_start3A_281 = arith.constant 0 : i32
        %dma_start3A_282 = arith.constant 0 : i32
        %dma_start3A_283 = tpu.memref_slice %arg7[%arg1, %dma_start3A_281, %dma_start3A_282] : memref<16x8x2048xf32, #tpu.memory_space<vmem_shared>> -> memref<1x8x2048xf32, #tpu.memory_space<vmem_shared>>
        %dma_start3A_284 = tpu.memref_squeeze %dma_start3A_283 : memref<1x8x2048xf32, #tpu.memory_space<vmem_shared>> -> memref<8x2048xf32, #tpu.memory_space<vmem_shared>>
        %dma_start3A_285 = arith.constant 0 : i32
        %dma_start3A_286 = arith.constant 0 : i32
        %dma_start3A_287 = tpu.memref_slice %arg7[%arg1, %dma_start3A_285, %dma_start3A_286] : memref<16x8x2048xf32, #tpu.memory_space<vmem_shared>> -> memref<1x8x2048xf32, #tpu.memory_space<vmem_shared>>
        %dma_start3A_288 = tpu.memref_squeeze %dma_start3A_287 : memref<1x8x2048xf32, #tpu.memory_space<vmem_shared>> -> memref<8x2048xf32, #tpu.memory_space<vmem_shared>>
        %dma_start3A_289 = arith.constant 0 : i32
        %dma_start3A_290 = arith.constant 0 : i32
        %dma_start3A_291 = tpu.memref_slice %arg6[%run_scoped3A, %dma_start3A_289, %dma_start3A_290] : memref<4x8x2048xf32, #tpu.memory_space<vmem>> -> memref<1x8x2048xf32, #tpu.memory_space<vmem>>
        %dma_start3A_292 = tpu.memref_squeeze %dma_start3A_291 : memref<1x8x2048xf32, #tpu.memory_space<vmem>> -> memref<8x2048xf32, #tpu.memory_space<vmem>>
        tpu.enqueue_dma source(%dma_start3A_292 : memref<8x2048xf32, #tpu.memory_space<vmem>>) target(%dma_start3A_288 : memref<8x2048xf32, #tpu.memory_space<vmem_shared>>) target_semaphore(%run_scoped3A_276 : memref<!tpu.dma_semaphore, #tpu.memory_space<semaphore_mem>>)
        %dma_wait3A_293 = arith.constant 0 : i32
        %dma_wait3A_294 = arith.constant 0 : i32
        %dma_wait3A_295 = tpu.memref_slice %arg6[%run_scoped3A, %dma_wait3A_293, %dma_wait3A_294] : memref<4x8x2048xf32, #tpu.memory_space<vmem>> -> memref<1x8x2048xf32, #tpu.memory_space<vmem>>
        %dma_wait3A_296 = tpu.memref_squeeze %dma_wait3A_295 : memref<1x8x2048xf32, #tpu.memory_space<vmem>> -> memref<8x2048xf32, #tpu.memory_space<vmem>>
        %dma_wait3A_297 = arith.constant 0 : i32
        %dma_wait3A_298 = arith.constant 0 : i32
        %dma_wait3A_299 = tpu.memref_slice %arg7[%arg1, %dma_wait3A_297, %dma_wait3A_298] : memref<16x8x2048xf32, #tpu.memory_space<vmem_shared>> -> memref<1x8x2048xf32, #tpu.memory_space<vmem_shared>>
        %dma_wait3A_300 = tpu.memref_squeeze %dma_wait3A_299 : memref<1x8x2048xf32, #tpu.memory_space<vmem_shared>> -> memref<8x2048xf32, #tpu.memory_space<vmem_shared>>
        %dma_wait3A_301 = arith.constant 0 : i32
        %dma_wait3A_302 = arith.constant 0 : i32
        %dma_wait3A_303 = tpu.memref_slice %arg7[%arg1, %dma_wait3A_301, %dma_wait3A_302] : memref<16x8x2048xf32, #tpu.memory_space<vmem_shared>> -> memref<1x8x2048xf32, #tpu.memory_space<vmem_shared>>
        %dma_wait3A_304 = tpu.memref_squeeze %dma_wait3A_303 : memref<1x8x2048xf32, #tpu.memory_space<vmem_shared>> -> memref<8x2048xf32, #tpu.memory_space<vmem_shared>>
        %dma_wait3A_305 = arith.constant 0 : i32
        %dma_wait3A_306 = arith.constant 0 : i32
        %dma_wait3A_307 = tpu.memref_slice %arg6[%run_scoped3A, %dma_wait3A_305, %dma_wait3A_306] : memref<4x8x2048xf32, #tpu.memory_space<vmem>> -> memref<1x8x2048xf32, #tpu.memory_space<vmem>>
        %dma_wait3A_308 = tpu.memref_squeeze %dma_wait3A_307 : memref<1x8x2048xf32, #tpu.memory_space<vmem>> -> memref<8x2048xf32, #tpu.memory_space<vmem>>
        tpu.wait_dma2 semaphore(%run_scoped3A_276 : memref<!tpu.dma_semaphore, #tpu.memory_space<semaphore_mem>>) src(%dma_wait3A_308 : memref<8x2048xf32, #tpu.memory_space<vmem>>) dst(%dma_wait3A_304 : memref<8x2048xf32, #tpu.memory_space<vmem_shared>>)
        tpu.yield
      }) : () -> ()
      %mul3A_161 = arith.constant 8 : i32
      %mul3A_162 = arith.muli %add3A_145, %mul3A_161 : i32
      %add3A_163 = arith.addi %mul3A_32, %mul3A_162 : i32
      %dma_start3A_164 = arith.constant 0 : i32
      %dma_start3A_165 = tpu.memref_slice %arg4[%select_n3A, %add3A_163, %dma_start3A_164] : memref<4x4096x2048xf32, #tpu.memory_space<hbm>> -> memref<1x8x2048xf32, #tpu.memory_space<hbm>>
      %dma_start3A_166 = tpu.memref_squeeze %dma_start3A_165 : memref<1x8x2048xf32, #tpu.memory_space<hbm>> -> memref<8x2048xf32, #tpu.memory_space<hbm>>
      %dma_start3A_167 = arith.constant 0 : i32
      %dma_start3A_168 = arith.constant 0 : i32
      %dma_start3A_169 = tpu.memref_slice %arg7[%arg1, %dma_start3A_167, %dma_start3A_168] : memref<16x8x2048xf32, #tpu.memory_space<vmem_shared>> -> memref<1x8x2048xf32, #tpu.memory_space<vmem_shared>>
      %dma_start3A_170 = tpu.memref_squeeze %dma_start3A_169 : memref<1x8x2048xf32, #tpu.memory_space<vmem_shared>> -> memref<8x2048xf32, #tpu.memory_space<vmem_shared>>
      tpu.enqueue_dma source(%dma_start3A_170 : memref<8x2048xf32, #tpu.memory_space<vmem_shared>>) target(%dma_start3A_166 : memref<8x2048xf32, #tpu.memory_space<hbm>>) target_semaphore(%arg14 : memref<!tpu.dma_semaphore, #tpu.memory_space<semaphore_mem>>)
      %lt3A_171 = arith.constant 15 : i32
      %lt3A_172 = arith.cmpi slt, %scan3A_86, %lt3A_171 : i32
      %convert_element_type3A_173 = arith.extui %lt3A_172 : i1 to i32
      %cond3A_174 = arith.constant 0 : i32
      %cond3A_175 = arith.cmpi ne, %convert_element_type3A_173, %cond3A_174 : i32
      scf.if %cond3A_175 {
        %add3A_276 = arith.constant 4 : i32
        %add3A_277 = arith.addi %add3A_145, %add3A_276 : i32
        %mul3A_278 = arith.constant 8 : i32
        %mul3A_279 = arith.muli %add3A_277, %mul3A_278 : i32
        %dma_start3A_280 = arith.constant 1 : i32
        %dma_start3A_281 = arith.constant 0 : i32
        %dma_start3A_282 = arith.constant 0 : i32
        %dma_start3A_283 = tpu.memref_slice %arg6[%dma_start3A_280, %dma_start3A_281, %dma_start3A_282] : memref<4x8x2048xf32, #tpu.memory_space<vmem>> -> memref<1x8x2048xf32, #tpu.memory_space<vmem>>
        %dma_start3A_284 = tpu.memref_squeeze %dma_start3A_283 : memref<1x8x2048xf32, #tpu.memory_space<vmem>> -> memref<8x2048xf32, #tpu.memory_space<vmem>>
        %dma_start3A_285 = tpu.memref_slice %arg5[%mul3A_279] : memref<512xi32, #tpu.memory_space<vmem>> -> memref<8xi32, #tpu.memory_space<vmem>>
        %dma_start3A_286 = arith.constant 0 : i32
        %dma_start3A_287 = arith.constant 0 : i32
        %dma_start3A_288 = tpu.memref_slice %arg3[%dma_start3A_286, %dma_start3A_287] : memref<100000x2048xf32, #tpu.memory_space<hbm>> -> memref<100000x2048xf32, #tpu.memory_space<hbm>>
        tpu.enqueue_indirect_dma source(%dma_start3A_288 : memref<100000x2048xf32, #tpu.memory_space<hbm>>) target(%dma_start3A_284 : memref<8x2048xf32, #tpu.memory_space<vmem>>) offsets(%dma_start3A_285 : memref<8xi32, #tpu.memory_space<vmem>>) semaphore(%arg9 : memref<!tpu.dma_semaphore, #tpu.memory_space<semaphore_mem>>)
      } else {
      }
      %mul3A_176 = arith.constant 4 : i32
      %mul3A_177 = arith.muli %scan3A_86, %mul3A_176 : i32
      %add3A_178 = arith.constant 2 : i32
      %add3A_179 = arith.addi %mul3A_177, %add3A_178 : i32
      %mul3A_180 = arith.constant 8 : i32
      %mul3A_181 = arith.muli %add3A_179, %mul3A_180 : i32
      %dma_wait3A_182 = arith.constant 2 : i32
      %dma_wait3A_183 = arith.constant 0 : i32
      %dma_wait3A_184 = arith.constant 0 : i32
      %dma_wait3A_185 = tpu.memref_slice %arg6[%dma_wait3A_182, %dma_wait3A_183, %dma_wait3A_184] : memref<4x8x2048xf32, #tpu.memory_space<vmem>> -> memref<1x8x2048xf32, #tpu.memory_space<vmem>>
      %dma_wait3A_186 = tpu.memref_squeeze %dma_wait3A_185 : memref<1x8x2048xf32, #tpu.memory_space<vmem>> -> memref<8x2048xf32, #tpu.memory_space<vmem>>
      %dma_wait3A_187 = tpu.memref_slice %arg5[%mul3A_181] : memref<512xi32, #tpu.memory_space<vmem>> -> memref<8xi32, #tpu.memory_space<vmem>>
      %dma_wait3A_188 = arith.constant 0 : i32
      %dma_wait3A_189 = arith.constant 0 : i32
      %dma_wait3A_190 = tpu.memref_slice %arg3[%dma_wait3A_188, %dma_wait3A_189] : memref<100000x2048xf32, #tpu.memory_space<hbm>> -> memref<100000x2048xf32, #tpu.memory_space<hbm>>
      tpu.wait_indirect_dma semaphore(%arg10 : memref<!tpu.dma_semaphore, #tpu.memory_space<semaphore_mem>>) src(%dma_wait3A_190 : memref<100000x2048xf32, #tpu.memory_space<hbm>>) dst(%dma_wait3A_186 : memref<8x2048xf32, #tpu.memory_space<vmem>>)
      %mul3A_191 = arith.constant 8 : i32
      %mul3A_192 = arith.muli %add3A_179, %mul3A_191 : i32
      %add3A_193 = arith.addi %mul3A_32, %mul3A_192 : i32
      %dma_start3A_194 = arith.constant 2 : i32
      %dma_start3A_195 = arith.constant 0 : i32
      %dma_start3A_196 = arith.constant 0 : i32
      %dma_start3A_197 = tpu.memref_slice %arg6[%dma_start3A_194, %dma_start3A_195, %dma_start3A_196] : memref<4x8x2048xf32, #tpu.memory_space<vmem>> -> memref<1x8x2048xf32, #tpu.memory_space<vmem>>
      %dma_start3A_198 = tpu.memref_squeeze %dma_start3A_197 : memref<1x8x2048xf32, #tpu.memory_space<vmem>> -> memref<8x2048xf32, #tpu.memory_space<vmem>>
      %dma_start3A_199 = arith.constant 0 : i32
      %dma_start3A_200 = tpu.memref_slice %arg4[%select_n3A, %add3A_193, %dma_start3A_199] : memref<4x4096x2048xf32, #tpu.memory_space<hbm>> -> memref<1x8x2048xf32, #tpu.memory_space<hbm>>
      %dma_start3A_201 = tpu.memref_squeeze %dma_start3A_200 : memref<1x8x2048xf32, #tpu.memory_space<hbm>> -> memref<8x2048xf32, #tpu.memory_space<hbm>>
      %dma_start3A_202 = arith.constant 0 : i32
      %dma_start3A_203 = tpu.memref_slice %arg4[%select_n3A, %add3A_193, %dma_start3A_202] : memref<4x4096x2048xf32, #tpu.memory_space<hbm>> -> memref<1x8x2048xf32, #tpu.memory_space<hbm>>
      %dma_start3A_204 = tpu.memref_squeeze %dma_start3A_203 : memref<1x8x2048xf32, #tpu.memory_space<hbm>> -> memref<8x2048xf32, #tpu.memory_space<hbm>>
      %dma_start3A_205 = arith.constant 0 : i32
      %dma_start3A_206 = arith.constant 0 : i32
      %dma_start3A_207 = tpu.memref_slice %arg6[%dma_start3A_194, %dma_start3A_205, %dma_start3A_206] : memref<4x8x2048xf32, #tpu.memory_space<vmem>> -> memref<1x8x2048xf32, #tpu.memory_space<vmem>>
      %dma_start3A_208 = tpu.memref_squeeze %dma_start3A_207 : memref<1x8x2048xf32, #tpu.memory_space<vmem>> -> memref<8x2048xf32, #tpu.memory_space<vmem>>
      tpu.enqueue_dma source(%dma_start3A_208 : memref<8x2048xf32, #tpu.memory_space<vmem>>) target(%dma_start3A_204 : memref<8x2048xf32, #tpu.memory_space<hbm>>) target_semaphore(%arg13 : memref<!tpu.dma_semaphore, #tpu.memory_space<semaphore_mem>>)
      %mul3A_209 = arith.constant 8 : i32
      %mul3A_210 = arith.muli %add3A_179, %mul3A_209 : i32
      %add3A_211 = arith.addi %mul3A_32, %mul3A_210 : i32
      %dma_wait3A_212 = arith.constant 2 : i32
      %dma_wait3A_213 = arith.constant 0 : i32
      %dma_wait3A_214 = arith.constant 0 : i32
      %dma_wait3A_215 = tpu.memref_slice %arg6[%dma_wait3A_212, %dma_wait3A_213, %dma_wait3A_214] : memref<4x8x2048xf32, #tpu.memory_space<vmem>> -> memref<1x8x2048xf32, #tpu.memory_space<vmem>>
      %dma_wait3A_216 = tpu.memref_squeeze %dma_wait3A_215 : memref<1x8x2048xf32, #tpu.memory_space<vmem>> -> memref<8x2048xf32, #tpu.memory_space<vmem>>
      %dma_wait3A_217 = arith.constant 0 : i32
      %dma_wait3A_218 = tpu.memref_slice %arg4[%select_n3A, %add3A_211, %dma_wait3A_217] : memref<4x4096x2048xf32, #tpu.memory_space<hbm>> -> memref<1x8x2048xf32, #tpu.memory_space<hbm>>
      %dma_wait3A_219 = tpu.memref_squeeze %dma_wait3A_218 : memref<1x8x2048xf32, #tpu.memory_space<hbm>> -> memref<8x2048xf32, #tpu.memory_space<hbm>>
      %dma_wait3A_220 = arith.constant 0 : i32
      %dma_wait3A_221 = tpu.memref_slice %arg4[%select_n3A, %add3A_211, %dma_wait3A_220] : memref<4x4096x2048xf32, #tpu.memory_space<hbm>> -> memref<1x8x2048xf32, #tpu.memory_space<hbm>>
      %dma_wait3A_222 = tpu.memref_squeeze %dma_wait3A_221 : memref<1x8x2048xf32, #tpu.memory_space<hbm>> -> memref<8x2048xf32, #tpu.memory_space<hbm>>
      %dma_wait3A_223 = arith.constant 0 : i32
      %dma_wait3A_224 = arith.constant 0 : i32
      %dma_wait3A_225 = tpu.memref_slice %arg6[%dma_wait3A_212, %dma_wait3A_223, %dma_wait3A_224] : memref<4x8x2048xf32, #tpu.memory_space<vmem>> -> memref<1x8x2048xf32, #tpu.memory_space<vmem>>
      %dma_wait3A_226 = tpu.memref_squeeze %dma_wait3A_225 : memref<1x8x2048xf32, #tpu.memory_space<vmem>> -> memref<8x2048xf32, #tpu.memory_space<vmem>>
      tpu.wait_dma2 semaphore(%arg13 : memref<!tpu.dma_semaphore, #tpu.memory_space<semaphore_mem>>) src(%dma_wait3A_226 : memref<8x2048xf32, #tpu.memory_space<vmem>>) dst(%dma_wait3A_222 : memref<8x2048xf32, #tpu.memory_space<hbm>>)
      %lt3A_227 = arith.constant 15 : i32
      %lt3A_228 = arith.cmpi slt, %scan3A_86, %lt3A_227 : i32
      %convert_element_type3A_229 = arith.extui %lt3A_228 : i1 to i32
      %cond3A_230 = arith.constant 0 : i32
      %cond3A_231 = arith.cmpi ne, %convert_element_type3A_229, %cond3A_230 : i32
      scf.if %cond3A_231 {
        %add3A_276 = arith.constant 4 : i32
        %add3A_277 = arith.addi %add3A_179, %add3A_276 : i32
        %mul3A_278 = arith.constant 8 : i32
        %mul3A_279 = arith.muli %add3A_277, %mul3A_278 : i32
        %dma_start3A_280 = arith.constant 2 : i32
        %dma_start3A_281 = arith.constant 0 : i32
        %dma_start3A_282 = arith.constant 0 : i32
        %dma_start3A_283 = tpu.memref_slice %arg6[%dma_start3A_280, %dma_start3A_281, %dma_start3A_282] : memref<4x8x2048xf32, #tpu.memory_space<vmem>> -> memref<1x8x2048xf32, #tpu.memory_space<vmem>>
        %dma_start3A_284 = tpu.memref_squeeze %dma_start3A_283 : memref<1x8x2048xf32, #tpu.memory_space<vmem>> -> memref<8x2048xf32, #tpu.memory_space<vmem>>
        %dma_start3A_285 = tpu.memref_slice %arg5[%mul3A_279] : memref<512xi32, #tpu.memory_space<vmem>> -> memref<8xi32, #tpu.memory_space<vmem>>
        %dma_start3A_286 = arith.constant 0 : i32
        %dma_start3A_287 = arith.constant 0 : i32
        %dma_start3A_288 = tpu.memref_slice %arg3[%dma_start3A_286, %dma_start3A_287] : memref<100000x2048xf32, #tpu.memory_space<hbm>> -> memref<100000x2048xf32, #tpu.memory_space<hbm>>
        tpu.enqueue_indirect_dma source(%dma_start3A_288 : memref<100000x2048xf32, #tpu.memory_space<hbm>>) target(%dma_start3A_284 : memref<8x2048xf32, #tpu.memory_space<vmem>>) offsets(%dma_start3A_285 : memref<8xi32, #tpu.memory_space<vmem>>) semaphore(%arg10 : memref<!tpu.dma_semaphore, #tpu.memory_space<semaphore_mem>>)
      } else {
      }
      %mul3A_232 = arith.constant 4 : i32
      %mul3A_233 = arith.muli %scan3A_86, %mul3A_232 : i32
      %add3A_234 = arith.constant 3 : i32
      %add3A_235 = arith.addi %mul3A_233, %add3A_234 : i32
      %mul3A_236 = arith.constant 8 : i32
      %mul3A_237 = arith.muli %add3A_235, %mul3A_236 : i32
      %dma_wait3A_238 = arith.constant 3 : i32
      %dma_wait3A_239 = arith.constant 0 : i32
      %dma_wait3A_240 = arith.constant 0 : i32
      %dma_wait3A_241 = tpu.memref_slice %arg6[%dma_wait3A_238, %dma_wait3A_239, %dma_wait3A_240] : memref<4x8x2048xf32, #tpu.memory_space<vmem>> -> memref<1x8x2048xf32, #tpu.memory_space<vmem>>
      %dma_wait3A_242 = tpu.memref_squeeze %dma_wait3A_241 : memref<1x8x2048xf32, #tpu.memory_space<vmem>> -> memref<8x2048xf32, #tpu.memory_space<vmem>>
      %dma_wait3A_243 = tpu.memref_slice %arg5[%mul3A_237] : memref<512xi32, #tpu.memory_space<vmem>> -> memref<8xi32, #tpu.memory_space<vmem>>
      %dma_wait3A_244 = arith.constant 0 : i32
      %dma_wait3A_245 = arith.constant 0 : i32
      %dma_wait3A_246 = tpu.memref_slice %arg3[%dma_wait3A_244, %dma_wait3A_245] : memref<100000x2048xf32, #tpu.memory_space<hbm>> -> memref<100000x2048xf32, #tpu.memory_space<hbm>>
      tpu.wait_indirect_dma semaphore(%arg11 : memref<!tpu.dma_semaphore, #tpu.memory_space<semaphore_mem>>) src(%dma_wait3A_246 : memref<100000x2048xf32, #tpu.memory_space<hbm>>) dst(%dma_wait3A_242 : memref<8x2048xf32, #tpu.memory_space<vmem>>)
      %sub3A_247 = arith.constant 2 : i32
      %sub3A_248 = arith.subi %add3A_235, %sub3A_247 : i32
      %mul3A_249 = arith.constant 8 : i32
      %mul3A_250 = arith.muli %sub3A_248, %mul3A_249 : i32
      %add3A_251 = arith.addi %mul3A_32, %mul3A_250 : i32
      %dma_wait3A_252 = arith.constant 0 : i32
      %dma_wait3A_253 = tpu.memref_slice %arg4[%select_n3A, %add3A_251, %dma_wait3A_252] : memref<4x4096x2048xf32, #tpu.memory_space<hbm>> -> memref<1x8x2048xf32, #tpu.memory_space<hbm>>
      %dma_wait3A_254 = tpu.memref_squeeze %dma_wait3A_253 : memref<1x8x2048xf32, #tpu.memory_space<hbm>> -> memref<8x2048xf32, #tpu.memory_space<hbm>>
      %dma_wait3A_255 = arith.constant 0 : i32
      %dma_wait3A_256 = arith.constant 0 : i32
      %dma_wait3A_257 = tpu.memref_slice %arg7[%arg1, %dma_wait3A_255, %dma_wait3A_256] : memref<16x8x2048xf32, #tpu.memory_space<vmem_shared>> -> memref<1x8x2048xf32, #tpu.memory_space<vmem_shared>>
      %dma_wait3A_258 = tpu.memref_squeeze %dma_wait3A_257 : memref<1x8x2048xf32, #tpu.memory_space<vmem_shared>> -> memref<8x2048xf32, #tpu.memory_space<vmem_shared>>
      tpu.wait_dma2 semaphore(%arg14 : memref<!tpu.dma_semaphore, #tpu.memory_space<semaphore_mem>>) src(%dma_wait3A_258 : memref<8x2048xf32, #tpu.memory_space<vmem_shared>>) dst(%dma_wait3A_254 : memref<8x2048xf32, #tpu.memory_space<hbm>>)
      %run_scoped3A_259 = arith.constant 3 : i32
      "tpu.region"() ({
        %run_scoped3A_276 = tpu.sem_alloc : memref<!tpu.dma_semaphore, #tpu.memory_space<semaphore_mem>>
        %dma_start3A_277 = arith.constant 0 : i32
        %dma_start3A_278 = arith.constant 0 : i32
        %dma_start3A_279 = tpu.memref_slice %arg6[%run_scoped3A_259, %dma_start3A_277, %dma_start3A_278] : memref<4x8x2048xf32, #tpu.memory_space<vmem>> -> memref<1x8x2048xf32, #tpu.memory_space<vmem>>
        %dma_start3A_280 = tpu.memref_squeeze %dma_start3A_279 : memref<1x8x2048xf32, #tpu.memory_space<vmem>> -> memref<8x2048xf32, #tpu.memory_space<vmem>>
        %dma_start3A_281 = arith.constant 0 : i32
        %dma_start3A_282 = arith.constant 0 : i32
        %dma_start3A_283 = tpu.memref_slice %arg7[%arg1, %dma_start3A_281, %dma_start3A_282] : memref<16x8x2048xf32, #tpu.memory_space<vmem_shared>> -> memref<1x8x2048xf32, #tpu.memory_space<vmem_shared>>
        %dma_start3A_284 = tpu.memref_squeeze %dma_start3A_283 : memref<1x8x2048xf32, #tpu.memory_space<vmem_shared>> -> memref<8x2048xf32, #tpu.memory_space<vmem_shared>>
        %dma_start3A_285 = arith.constant 0 : i32
        %dma_start3A_286 = arith.constant 0 : i32
        %dma_start3A_287 = tpu.memref_slice %arg7[%arg1, %dma_start3A_285, %dma_start3A_286] : memref<16x8x2048xf32, #tpu.memory_space<vmem_shared>> -> memref<1x8x2048xf32, #tpu.memory_space<vmem_shared>>
        %dma_start3A_288 = tpu.memref_squeeze %dma_start3A_287 : memref<1x8x2048xf32, #tpu.memory_space<vmem_shared>> -> memref<8x2048xf32, #tpu.memory_space<vmem_shared>>
        %dma_start3A_289 = arith.constant 0 : i32
        %dma_start3A_290 = arith.constant 0 : i32
        %dma_start3A_291 = tpu.memref_slice %arg6[%run_scoped3A_259, %dma_start3A_289, %dma_start3A_290] : memref<4x8x2048xf32, #tpu.memory_space<vmem>> -> memref<1x8x2048xf32, #tpu.memory_space<vmem>>
        %dma_start3A_292 = tpu.memref_squeeze %dma_start3A_291 : memref<1x8x2048xf32, #tpu.memory_space<vmem>> -> memref<8x2048xf32, #tpu.memory_space<vmem>>
        tpu.enqueue_dma source(%dma_start3A_292 : memref<8x2048xf32, #tpu.memory_space<vmem>>) target(%dma_start3A_288 : memref<8x2048xf32, #tpu.memory_space<vmem_shared>>) target_semaphore(%run_scoped3A_276 : memref<!tpu.dma_semaphore, #tpu.memory_space<semaphore_mem>>)
        %dma_wait3A_293 = arith.constant 0 : i32
        %dma_wait3A_294 = arith.constant 0 : i32
        %dma_wait3A_295 = tpu.memref_slice %arg6[%run_scoped3A_259, %dma_wait3A_293, %dma_wait3A_294] : memref<4x8x2048xf32, #tpu.memory_space<vmem>> -> memref<1x8x2048xf32, #tpu.memory_space<vmem>>
        %dma_wait3A_296 = tpu.memref_squeeze %dma_wait3A_295 : memref<1x8x2048xf32, #tpu.memory_space<vmem>> -> memref<8x2048xf32, #tpu.memory_space<vmem>>
        %dma_wait3A_297 = arith.constant 0 : i32
        %dma_wait3A_298 = arith.constant 0 : i32
        %dma_wait3A_299 = tpu.memref_slice %arg7[%arg1, %dma_wait3A_297, %dma_wait3A_298] : memref<16x8x2048xf32, #tpu.memory_space<vmem_shared>> -> memref<1x8x2048xf32, #tpu.memory_space<vmem_shared>>
        %dma_wait3A_300 = tpu.memref_squeeze %dma_wait3A_299 : memref<1x8x2048xf32, #tpu.memory_space<vmem_shared>> -> memref<8x2048xf32, #tpu.memory_space<vmem_shared>>
        %dma_wait3A_301 = arith.constant 0 : i32
        %dma_wait3A_302 = arith.constant 0 : i32
        %dma_wait3A_303 = tpu.memref_slice %arg7[%arg1, %dma_wait3A_301, %dma_wait3A_302] : memref<16x8x2048xf32, #tpu.memory_space<vmem_shared>> -> memref<1x8x2048xf32, #tpu.memory_space<vmem_shared>>
        %dma_wait3A_304 = tpu.memref_squeeze %dma_wait3A_303 : memref<1x8x2048xf32, #tpu.memory_space<vmem_shared>> -> memref<8x2048xf32, #tpu.memory_space<vmem_shared>>
        %dma_wait3A_305 = arith.constant 0 : i32
        %dma_wait3A_306 = arith.constant 0 : i32
        %dma_wait3A_307 = tpu.memref_slice %arg6[%run_scoped3A_259, %dma_wait3A_305, %dma_wait3A_306] : memref<4x8x2048xf32, #tpu.memory_space<vmem>> -> memref<1x8x2048xf32, #tpu.memory_space<vmem>>
        %dma_wait3A_308 = tpu.memref_squeeze %dma_wait3A_307 : memref<1x8x2048xf32, #tpu.memory_space<vmem>> -> memref<8x2048xf32, #tpu.memory_space<vmem>>
        tpu.wait_dma2 semaphore(%run_scoped3A_276 : memref<!tpu.dma_semaphore, #tpu.memory_space<semaphore_mem>>) src(%dma_wait3A_308 : memref<8x2048xf32, #tpu.memory_space<vmem>>) dst(%dma_wait3A_304 : memref<8x2048xf32, #tpu.memory_space<vmem_shared>>)
        tpu.yield
      }) : () -> ()
      %mul3A_260 = arith.constant 8 : i32
      %mul3A_261 = arith.muli %add3A_235, %mul3A_260 : i32
      %add3A_262 = arith.addi %mul3A_32, %mul3A_261 : i32
      %dma_start3A_263 = arith.constant 0 : i32
      %dma_start3A_264 = tpu.memref_slice %arg4[%select_n3A, %add3A_262, %dma_start3A_263] : memref<4x4096x2048xf32, #tpu.memory_space<hbm>> -> memref<1x8x2048xf32, #tpu.memory_space<hbm>>
      %dma_start3A_265 = tpu.memref_squeeze %dma_start3A_264 : memref<1x8x2048xf32, #tpu.memory_space<hbm>> -> memref<8x2048xf32, #tpu.memory_space<hbm>>
      %dma_start3A_266 = arith.constant 0 : i32
      %dma_start3A_267 = arith.constant 0 : i32
      %dma_start3A_268 = tpu.memref_slice %arg7[%arg1, %dma_start3A_266, %dma_start3A_267] : memref<16x8x2048xf32, #tpu.memory_space<vmem_shared>> -> memref<1x8x2048xf32, #tpu.memory_space<vmem_shared>>
      %dma_start3A_269 = tpu.memref_squeeze %dma_start3A_268 : memref<1x8x2048xf32, #tpu.memory_space<vmem_shared>> -> memref<8x2048xf32, #tpu.memory_space<vmem_shared>>
      tpu.enqueue_dma source(%dma_start3A_269 : memref<8x2048xf32, #tpu.memory_space<vmem_shared>>) target(%dma_start3A_265 : memref<8x2048xf32, #tpu.memory_space<hbm>>) target_semaphore(%arg14 : memref<!tpu.dma_semaphore, #tpu.memory_space<semaphore_mem>>)
      %lt3A_270 = arith.constant 15 : i32
      %lt3A_271 = arith.cmpi slt, %scan3A_86, %lt3A_270 : i32
      %convert_element_type3A_272 = arith.extui %lt3A_271 : i1 to i32
      %cond3A_273 = arith.constant 0 : i32
      %cond3A_274 = arith.cmpi ne, %convert_element_type3A_272, %cond3A_273 : i32
      scf.if %cond3A_274 {
        %add3A_276 = arith.constant 4 : i32
        %add3A_277 = arith.addi %add3A_235, %add3A_276 : i32
        %mul3A_278 = arith.constant 8 : i32
        %mul3A_279 = arith.muli %add3A_277, %mul3A_278 : i32
        %dma_start3A_280 = arith.constant 3 : i32
        %dma_start3A_281 = arith.constant 0 : i32
        %dma_start3A_282 = arith.constant 0 : i32
        %dma_start3A_283 = tpu.memref_slice %arg6[%dma_start3A_280, %dma_start3A_281, %dma_start3A_282] : memref<4x8x2048xf32, #tpu.memory_space<vmem>> -> memref<1x8x2048xf32, #tpu.memory_space<vmem>>
        %dma_start3A_284 = tpu.memref_squeeze %dma_start3A_283 : memref<1x8x2048xf32, #tpu.memory_space<vmem>> -> memref<8x2048xf32, #tpu.memory_space<vmem>>
        %dma_start3A_285 = tpu.memref_slice %arg5[%mul3A_279] : memref<512xi32, #tpu.memory_space<vmem>> -> memref<8xi32, #tpu.memory_space<vmem>>
        %dma_start3A_286 = arith.constant 0 : i32
        %dma_start3A_287 = arith.constant 0 : i32
        %dma_start3A_288 = tpu.memref_slice %arg3[%dma_start3A_286, %dma_start3A_287] : memref<100000x2048xf32, #tpu.memory_space<hbm>> -> memref<100000x2048xf32, #tpu.memory_space<hbm>>
        tpu.enqueue_indirect_dma source(%dma_start3A_288 : memref<100000x2048xf32, #tpu.memory_space<hbm>>) target(%dma_start3A_284 : memref<8x2048xf32, #tpu.memory_space<vmem>>) offsets(%dma_start3A_285 : memref<8xi32, #tpu.memory_space<vmem>>) semaphore(%arg11 : memref<!tpu.dma_semaphore, #tpu.memory_space<semaphore_mem>>)
      } else {
      }
      %scan3A_275 = arith.constant 0 : i32
      scf.yield %scan3A_275 : i32
    }
    %scan3A_77 = arith.constant 16 : i32
    %add3A_78 = arith.constant 504 : i32
    %add3A_79 = arith.addi %mul3A_32, %add3A_78 : i32
    %dma_wait3A = arith.constant 0 : i32
    %dma_wait3A_80 = tpu.memref_slice %arg4[%select_n3A, %add3A_79, %dma_wait3A] : memref<4x4096x2048xf32, #tpu.memory_space<hbm>> -> memref<1x8x2048xf32, #tpu.memory_space<hbm>>
    %dma_wait3A_81 = tpu.memref_squeeze %dma_wait3A_80 : memref<1x8x2048xf32, #tpu.memory_space<hbm>> -> memref<8x2048xf32, #tpu.memory_space<hbm>>
    %dma_wait3A_82 = arith.constant 0 : i32
    %dma_wait3A_83 = arith.constant 0 : i32
    %dma_wait3A_84 = tpu.memref_slice %arg7[%arg1, %dma_wait3A_82, %dma_wait3A_83] : memref<16x8x2048xf32, #tpu.memory_space<vmem_shared>> -> memref<1x8x2048xf32, #tpu.memory_space<vmem_shared>>
    %dma_wait3A_85 = tpu.memref_squeeze %dma_wait3A_84 : memref<1x8x2048xf32, #tpu.memory_space<vmem_shared>> -> memref<8x2048xf32, #tpu.memory_space<vmem_shared>>
    tpu.wait_dma2 semaphore(%arg14 : memref<!tpu.dma_semaphore, #tpu.memory_space<semaphore_mem>>) src(%dma_wait3A_85 : memref<8x2048xf32, #tpu.memory_space<vmem_shared>>) dst(%dma_wait3A_81 : memref<8x2048xf32, #tpu.memory_space<hbm>>)
    return
  }
}

</mosaic_0001>

<sc_bundles>
// kernel: kernel.3.cloned.1.call-start
scs
__scs_entry_jumppad:
0x0: {  	(pc) =	sbr.rel $0x88, $3  }
0x1: {  	(tag) =	ssettag $0x0;
	lr =	simm.s32 $0x1  }
0x2: {  	[smem:$0x3F9F] =	sst lr;
	_ =	strace $0xD0000000  }
0x3: {  	_ = 	snop  }
0x4: {  	_ = 	snop  }
0x5: {  	_ = 	snop  }
0x6: {  	_ = 	snop  }
0x7: {  	_ = 	snop  }
__scs_overlays_trampoline_lowered:
0x8: {  	[smem:$0x3FAE] =	sst s0  }
0x9: {  	[smem:$0x3FAF] =	sst s1  }
0xa: {  	[smem:$0x3FB0] =	sst s2  }
0xb: {  	[smem:$0x3FB1] =	sst s3  }
0xc: {  	[smem:$0x3FB2] =	sst s4  }
0xd: {  	[smem:$0x3FB3] =	sst s5  }
0xe: {  	[smem:$0x3FB4] =	sst s6  }
0xf: {  	[smem:$0x3FB5] =	sst s7  }
0x10: {  	[smem:$0x3FB6] =	sst s8  }
0x11: {  	[smem:$0x3FB7] =	sst s9;
	s0 =	simm.s32 @!p0 $0x0  }
0x12: {  	s1 =	sld [smem:$0x3F9D];
	s0 =	simm.s32 @p0 $0x1  }
0x13: {  	[smem:$0x3FB8] =	sst s0;
	s0 =	simm.s32 @!p1 $0x0  }
0x14: {  	s2 =	sld [smem:$0x3F9C];
	s0 =	simm.s32 @p1 $0x1  }
0x15: {  	[smem:$0x3FB9] =	sst s0;
	s0 =	simm.s32 @!p2 $0x0  }
0x16: {  	s3 =	sld [smem:$0x3FDB];
	s0 =	simm.s32 @p2 $0x1  }
0x17: {  	s4 =	simm.s32 $0x1BF5;
	[smem:$0x3FBB] =	sst s0  }
0x18: {  	s0 =	sld [smem:$0x3F9E];
	_ =	swait.ge [sflag:s4], $0x0  }
0x19: {  	s7 =	sld [smem:$0x3F9F]  }
0x1a: {  	s8 =	sadd.s32 $0xFFFFE003, lr  }
0x1b: {  	s9 =	sadd.s32 $0xFFFFFEF7, lr;
	s5 =	simm.s32 $0xFFFFFFFF;
	p2 =	slt.u32 s8, $0xFFFFF086  }
0x1c: {  	p1 =	slt.u32 s9, $0xF7A;
	s5 =	simm.s32 @!p2 $0x0  }
0x1d: {  	s5 =	simm.s32 @p1 $0x1;
	p0 =	seq.s32 s7, s2  }
0x1e: {  	s7 =	smul.u32 @!p0 $0xF7A, s2;
	p2 =	seq.s32 @!p0 s5, $0x0  }
0x1f: {  	s9 =	smul.u32 $0xF7A, s1;
	s8 =	simm.s32 @!p0 $0x1BF5;
	p2 =	por !p2, p0  }
0x20: {  	[sflag:s8] =	ssyncset.s32 @!p0 $0xFFFFF086;
	s6 =	sadd.s32 @!p0 s3, s7;
	s7 =	simm.s32 @!p0 $0x108  }
0x21: {  	s3 =	sadd.s32 s3, s9;
	s6 =	sadd.s32 @!p0 $0x88, s6;
	s7 =	simm.s32 @p2 $0x1082  }
0x22: {  	[simem:s7], [sflag:s8] =	dma.local @!p0 [hbm:s6], $0xF7A  }
0x23: {  	s9 =	sor.u32 $0xD0000000, s2;
	s6 =	simm.s32 $0x108;
	_ =	swait.ge @!p0 [sflag:s8], $0x0  }
0x24: {  	s3 =	sadd.s32 $0x88, s3;
	s6 =	simm.s32 @!p1 $0x1082;
	[sflag:s4] =	ssyncset.s32 $0xFFFFF086  }
0x25: {  	[simem:s6], [sflag:s4] =	dma.local [hbm:s3], $0xF7A  }
0x26: {  	[smem:$0x3F9F] =	sst s1;
	(tag) =	ssettag s2;
	_ =	strace s9  }
0x27: {  	s1 =	sld [smem:$0x3FAF]  }
0x28: {  	s2 =	sld [smem:$0x3FB0]  }
0x29: {  	s4 =	sld [smem:$0x3FB2]  }
0x2a: {  	p0 =	seq.s32 s5, $0x0;
	s5 =	sld [smem:$0x3FB3]  }
0x2b: {  	s6 =	sld [smem:$0x3FB4]  }
0x2c: {  	s7 =	sld [smem:$0x3FB5]  }
0x2d: {  	s3 =	simm.s32 $0x108;
	s8 =	sld [smem:$0x3FB6]  }
0x2e: {  	s3 =	simm.s32 @!p0 $0x1082;
	s9 =	sld [smem:$0x3FB7]  }
0x2f: {  	lr =	sadd.s32 s0, s3;
	s0 =	sld [smem:$0x3FAE]  }
0x30: {  	s3 =	sld [smem:$0x3FB1]  }
0x31: {  	[smem:$0x3FBA] =	sst s10  }
0x32: {  	s10 =	sld [smem:$0x3FB8];
	_ =	sdelay $0x3  }
0x33: {  	p0 =	seq.s32 s10, $0x1;
	s10 =	sld [smem:$0x3FBA];
	_ =	sdelay $0x3  }
0x34: {  	[smem:$0x3FBA] =	sst s10  }
0x35: {  	s10 =	sld [smem:$0x3FB9];
	_ =	sdelay $0x3  }
0x36: {  	p1 =	seq.s32 s10, $0x1;
	s10 =	sld [smem:$0x3FBA];
	_ =	sdelay $0x3  }
0x37: {  	[smem:$0x3FBA] =	sst s10  }
0x38: {  	s10 =	sld [smem:$0x3FBB]  }
0x39: {  	_ = 	snop;
	(pc) =	sbr.ind lr, $3  }
0x3a: {  	_ = 	snop  }
0x3b: {  	_ = 	snop  }
0x3c: {  	p2 =	seq.s32 s10, $0x1;
	s10 =	sld [smem:$0x3FBA]  }
0x3d: {  	_ =	shalt  }
0x3e: {  	_ =	shalt  }
0x3f: {  	_ =	shalt  }
0x40: {  	_ =	shalt  }
0x41: {  	_ =	shalt  }
0x42: {  	_ =	shalt  }
0x43: {  	_ =	shalt  }
0x44: {  	_ =	shalt  }
0x45: {  	_ =	shalt  }
0x46: {  	_ =	shalt  }
0x47: {  	_ =	shalt  }
0x48: {  	_ =	shalt  }
0x49: {  	_ =	shalt  }
0x4a: {  	_ =	shalt  }
0x4b: {  	_ =	shalt  }
0x4c: {  	_ =	shalt  }
0x4d: {  	_ =	shalt  }
0x4e: {  	_ =	shalt  }
0x4f: {  	_ =	shalt  }
0x50: {  	_ =	shalt  }
0x51: {  	_ =	shalt  }
0x52: {  	_ =	shalt  }
0x53: {  	_ =	shalt  }
0x54: {  	_ =	shalt  }
0x55: {  	_ =	shalt  }
0x56: {  	_ =	shalt  }
0x57: {  	_ =	shalt  }
0x58: {  	_ =	shalt  }
0x59: {  	_ =	shalt  }
0x5a: {  	_ =	shalt  }
0x5b: {  	_ =	shalt  }
0x5c: {  	_ =	shalt  }
0x5d: {  	_ =	shalt  }
0x5e: {  	_ =	shalt  }
0x5f: {  	_ =	shalt  }
0x60: {  	_ =	shalt  }
0x61: {  	_ =	shalt  }
0x62: {  	_ =	shalt  }
0x63: {  	_ =	shalt  }
0x64: {  	_ =	shalt  }
0x65: {  	_ =	shalt  }
0x66: {  	_ =	shalt  }
0x67: {  	_ =	shalt  }
0x68: {  	_ =	shalt  }
0x69: {  	_ =	shalt  }
0x6a: {  	_ =	shalt  }
0x6b: {  	_ =	shalt  }
0x6c: {  	_ =	shalt  }
0x6d: {  	_ =	shalt  }
0x6e: {  	_ =	shalt  }
0x6f: {  	_ =	shalt  }
0x70: {  	_ =	shalt  }
0x71: {  	_ =	shalt  }
0x72: {  	_ =	shalt  }
0x73: {  	_ =	shalt  }
0x74: {  	_ =	shalt  }
0x75: {  	_ =	shalt  }
0x76: {  	_ =	shalt  }
0x77: {  	_ =	shalt  }
0x78: {  	_ =	shalt  }
0x79: {  	_ =	shalt  }
0x7a: {  	_ =	shalt  }
0x7b: {  	_ =	shalt  }
0x7c: {  	_ =	shalt  }
0x7d: {  	_ =	shalt  }
0x7e: {  	_ =	shalt  }
0x7f: {  	_ =	shalt  }
0x80: {  	_ =	shalt  }
0x81: {  	_ =	shalt  }
0x82: {  	_ =	shalt  }
0x83: {  	_ =	shalt  }
0x84: {  	_ =	shalt  }
0x85: {  	_ =	shalt  }
0x86: {  	_ =	shalt  }
0x87: {  	_ =	shalt  }
.Lfunc_end0:
.L_simem_size_0:
called_computation_lowered:
.L_overlay_start_0:
0x88: {  	s2 =	sld [smem:$0x3FD9]  }
0x89: {  	s3 =	sld [smem:$0x3FFE];
	_ =	sdelay $0x1  }
0x8a: {  	s1 =	srdreg.scid  }
0x8b: {  	s0 =	sand.u32 $0x1, s1  }
0x8c: {  	s18 =	sshll.u32 s0, $0xA;
	s2 =	sadd.s32 s3, s2  }
0x8d: {  	s2 =	sadd.s32 s2, s18  }
0x8e: {  	[smem:$0x3FC6] =	sst s2  }
0x8f: {  	_ = 	snop  }
0x90: {  	s2 =	sld [smem:$0x3FC9]  }
0x91: {  	s19 =	sld [smem:$0x3FC8]  }
0x92: {  	s4 =	sld [smem:$0x3FD0];
	(tm) =	ssettm $0x1  }
0x93: {  	s5 =	sld [smem:$0x3FFB];
	_ =	sdelay $0x3  }
0x94: {  	_ =	strace s5  }
0x95: {  	s5 =	sld [smem:$0x3FFC];
	_ =	sdelay $0x3  }
0x96: {  	_ =	strace s5  }
0x97: {  	s5 =	sld [smem:$0x3FFD];
	_ =	sdelay $0x3  }
0x98: {  	_ =	strace s5  }
0x99: {  	_ =	strace $0x8FFFFFFF  }
0x9a: {  	s20 =	sld [smem:$0x3FDB];
	_ =	sdelay $0x1  }
0x9b: {  	s6 =	simm.s32 $_scs_section_size  }
0x9c: {  	s7 =	simm.s32 $_size__tile_overlayer_lowered;
	s8 =	simm.s32 $_tile_overlayer_lowered  }
0x9d: {  	s23 =	simm.s32 $0x1BFF;
	s22 =	sshll.u32 s8, $0x1;
	s5 =	sadd.s32 s6, s20  }
0x9e: {  	s9 =	simm.s32 $0x0;
	s21 =	sshll.u32 s7, $0x1;
	s7 =	sadd.s32 s22, s5  }
0x9f: {  	[timem:s9], [sflag:s23] =	dma.local [hbm:s7], s21  }
0xa0: {  	_ =	swait.ge [sflag:s23], s21  }
0xa1: {  	s6 =	ssub.s32 $0x0, s21;
	[sflag:s23] =	ssyncset.done $0x0  }
0xa2: {  	[sflag:s23] =	ssyncadd.s32 s6;
	_ =	sdelay $0x1  }
0xa3: {  	s24 =	simm.s32 $0x1B8B  }
0xa4: {  	_ =	swait.ge [sflag:s24], $0x1  }
0xa5: {  	[sflag:s24] =	ssyncset.done $0x0  }
0xa6: {  	s25 =	simm.s32 $0x1B8E;
	[sflag:s24] =	ssyncadd.s32 $0xFFFFFFFF  }
0xa7: {  	s26 =	simm.s32 $execute0_lowered;
	[smem:$0x3FD2] =	sst s25  }
0xa8: {  	s6 =	sshll.u32 s26, $0x1;
	_ =	strace $0x80000046;
	[dreg:$0x1] =	wrdreg $0xFFFFFFFF  }
0xa9: {  	s28 =	simm.s32 $_size_execute0_lowered;
	s5 =	sadd.s32 s5, s6;
	[dreg:$0x0] =	wrdreg $0x0  }
0xaa: {  	s6 =	sshll.u32 s28, $0x1;
	[dreg:$0x2] =	wrdreg s5  }
0xab: {  	[dreg:$0x3] =	wrdreg s6  }
0xac: {  	[dreg:$0x4] =	wrdreg $0xC0  }
0xad: {  	_ =	task [dreg:s9], $0x5FFFF  }
0xae: {  	[dreg:$0x1] =	wrdreg $0xFFFFFFFF  }
0xaf: {  	[dreg:$0x0] =	wrdreg $0x60  }
0xb0: {  	[dreg:$0x2] =	wrdreg s2  }
0xb1: {  	[dreg:$0x3] =	wrdreg s19  }
0xb2: {  	[dreg:$0x4] =	wrdreg s4  }
0xb3: {  	[dreg:$0x5] =	wrdreg $0x102000  }
0xb4: {  	[dreg:$0x6] =	wrdreg $0x9  }
0xb5: {  	_ =	task.clear_ibuf [dreg:s9], $0x7FFFF;
	_ =	strace $0x90000046  }
0xb6: {  	s29 =	simm.s32 $0x9;
	_ =	strace $0x80000048  }
0xb7: {  	_ =	swait.ge [sflag:s29], $0x1  }
0xb8: {  	[sflag:s29] =	ssyncadd.s32 $0xFFFFFFFF  }
0xb9: {  	_ =	strace $0x90000048  }
0xba: {  	_ =	sfence  }
0xbb: {  	s30 =	sld [smem:$0x0];
	_ =	sdelay $0x2  }
0xbc: {  	s31 =	sshll.u32 s1, $0xD;
	s1 =	sshrl.u32 s1, $0x2  }
0xbd: {  	s3 =	sand.u32 $0x4000, s31;
	s1 =	sadd.s32 s1, s30  }
0xbe: {  	s0 =	sor.u32 s3, s0;
	s1 =	sshll.u32 s1, $0x11  }
0xbf: {  	s0 =	sor.u32 s1, s0  }
0xc0: {  	s0 =	sadd.s32 $0x8F2B, s0  }
0xc1: {  	[sflag:s0] =	ssyncadd.remote.s32 $0x1  }
0xc2: {  	_ =	sfence.sel $0xFFFF  }
0xc3: {  	[dreg:$0x0] =	wrdreg $0xFFFFFFFF;
	(pc) =	sbr.abs _section_cstart, $3  }
0xc4: {  	[dreg:$0x1] =	wrdreg $0xFFFFFFFF  }
0xc5: {  	_ =	task.clear_ibuf [dreg:s9], $0x2FFFF;
	_ =	strace $0x9FFFFFFF  }
0xc6: {  	(tm) =	ssettm $0x7FFFFFFF  }
0xc7: {  	_ =	shalt  }
tec
execute0_lowered:
.L_overlay_start_1:
0x0: {  	(tag) =	ssettag $0x1  }
0x1: {  	s0 =	rddreg [dreg:$0x0]  }
0x2: {  	s1 =	rddreg [dreg:$0x1]  }
0x3: {  	s2 =	rddreg [dreg:$0x2]  }
0x4: {  	s4 =	rddreg [dreg:$0x3];
	s3 =	simm.s32 $0x0;
	s12 =	stileid.u32  }
0x5: {  	s5 =	srdreg.scid;
	s20 =	simm.s32 $0x8;
	s18 =	simm.s32 $0x5  }
0x6: {  	s19 =	simm.s32 $0x4;
	s29 =	simm.s32 $0x7;
	s30 =	simm.s32 $0x200  }
0x7: {  	s31 =	simm.s32 $0x8200;
	[smem:$0x7FF] =	sst s3;
	s6 =	sshll.u32 s12, $0x1  }
0x8: {  	s9 =	sand.u32 $0x1, s5;
	s8 =	sshrl.u32 s12, $0x2;
	s23 =	sand.u32 $0x3, s12  }
0x9: {  	s12 =	sshll.u32 s12, $0xE;
	s21 =	sand.u32 $0x6, s6;
	s22 =	ssub.s32 $0x2, s9  }
0xa: {  	s7 =	sshll.u32 s8, $0x4;
	_ =	strace $0x80000047;
	s6 =	sadd.s32 $0x200, s1  }
0xb: {  	s24 =	sshll.u32 s8, $0x17;
	s8 =	sadd.s32 $0x400, s1;
	s11 =	sshll.u32 s9, $0x14  }
0xc: {  	s12 =	sadd.s32 s12, s4;
	s5 =	sor.u32 s9, s21;
	s10 =	sshrl.u32 s22, $0x1  }
0xd: {  	s0 =	sadd.s32 s0, s7;
	s7 =	sadd.s32 $0x300, s1;
	s5 =	sshll.u32 s5, $0x8  }
0xe: {  	s9 =	sadd.s32 $0x500, s1;
	s21 =	simm.s32 $0xC200;
	s0 =	sadd.s32 s5, s0  }
0xf: {  	s13 =	ssub.s32 s22, s10;
	[dreg:$0x5] =	wrdreg s0;
	s0 =	sshll.u32 s23, $0x15  }
0x10: {  	s10 =	sadd.s32 $0x600, s1;
	s25 =	smax.u32 s13, $0x1;
	s0 =	sor.u32 s0, s24  }
0x11: {  	s5 =	sadd.s32 $0x100, s1;
	[dreg:$0x6] =	wrdreg s25;
	s0 =	sor.u32 s11, s0  }
0x12: {  	s23 =	simm.s32 $0x0;
	s11 =	sadd.s32 $0x700, s1;
	s14 =	sshrl.u32 s0, $0x3  }
.Ltmp0:
0x13: {  	s26 =	sor.u32 $0xC000, s0;
	s28 =	sor.u32 $0x8000, s0;
	(pc) =	sbr.rel .LBB2_1-.Ltmp0, $4  }
0x14: {  	s0 =	sor.u32 $0x4000, s0;
	s14 =	sadd.s32 s14, s2;
	s4 =	sshrl.u32 s26, $0x3  }
0x15: {  	v0 =	vlaneseq.u32;
	s13 =	sshrl.u32 s28, $0x3;
	s0 =	sshrl.u32 s0, $0x3;
	s15 =	sadd.s32 s4, s2  }
0x16: {  	v1 =	vshrl.u32 v0, $0x3;
	s16 =	sadd.s32 s13, s2;
	s17 =	sadd.s32 s0, s2;
	s0 =	simm.s32 $0x1  }
0x17: {  	vm0 =	vmmov $0xffff;
	v0 =	vand.u32 $0x7, v0;
	v1 =	vmul.u32 $0x8, v1;
	s4 =	simm.s32 $0x2;
	s13 =	simm.s32 $0x3;
	s2 =	simm.s32 $0x6  }
.LBB2_4:
0x18: {  	_ =	swait.ge [sflag:s29], $0x800  }
0x19: {  	s23 =	rddreg [dreg:$0x7]  }
0x1a: {  	s22 =	rddreg [dreg:$0x6];
	s23 =	sadd.s32 $0x1, s23  }
0x1b: {  	p0 =	sne.s32 s23, s22  }
.Ltmp1:
0x1c: {  	_ = 	snop;
	(pc) =	sbr.rel @!p0 .LBB2_5-.Ltmp1, $3  }
0x1d: {  	_ =	sdelay $0x1  }
0x1e: {  	[sflag:s29] =	ssyncset.done $0x0  }
0x1f: {  	[sflag:s29] =	ssyncadd.s32 $0xFFFFF800  }
.LBB2_1:
0x20: {  	[dreg:$0x7] =	wrdreg s23  }
0x21: {  	s22 =	rddreg [dreg:$0x5];
	s28 =	simm.s32 $0x80;
	s24 =	simm.s32 $0x200  }
0x22: {  	[tilespmem:s3], [sflag:$0x8] =	stream.strided.gather [hbm4b:s22+s28], $0x200, s24, s28, $0x38;
	[tilespmem:$0x14200] =	vst v63  }
0x23: {  	_ =	swait.ge [sflag:s20], $0x200  }
0x24: {  	[sflag:s20] =	ssyncset.done $0x0  }
0x25: {  	[sflag:s20] =	ssyncadd.s32 $0xFFFFFE00  }
0x26: {  	v2 =	vld.msk [tilespmem:$0x0], $0xff;
	_ =	sdelay $0x4  }
0x27: {  	v3 =	vshll.u32 v2, $0x4  }
0x28: {  	v2 =	vand.u32 $0x7, v2;
	v3 =	vand.u32 $0xFFFFFF80, v3  }
0x29: {  	v2 =	vor.u32 v2, v3  }
0x2a: {  	v2 =	vperm.xlane v2, v0;
	_ =	sdelay $0x1  }
0x2b: {  	v2 =	vadd.s32 v1, v2;
	_ =	sdelay $0x4  }
0x2c: {  	[tilespmem:s24], [sflag:$0x1] =	stream.indirect_vreg.gather [hbm4b:s1+s3], $0x80, v2, vm0, $0xb8;
	[tilespmem:$0x14200] =	vst v63  }
0x2d: {  	s23 =	simm.s32 $0xA00  }
0x2e: {  	[tilespmem:s23], [sflag:$0x1] =	stream.indirect_vreg.gather [hbm4b:s5+s3], $0x80, v2, vm0, $0xb8;
	[tilespmem:$0x14200] =	vst v63  }
0x2f: {  	s24 =	simm.s32 $0x1200  }
0x30: {  	[tilespmem:s24], [sflag:$0x1] =	stream.indirect_vreg.gather [hbm4b:s6+s3], $0x80, v2, vm0, $0xb8;
	[tilespmem:$0x14200] =	vst v63  }
0x31: {  	s25 =	simm.s32 $0x1A00  }
0x32: {  	[tilespmem:s25], [sflag:$0x1] =	stream.indirect_vreg.gather [hbm4b:s7+s3], $0x80, v2, vm0, $0xb8;
	[tilespmem:$0x14200] =	vst v63  }
0x33: {  	s26 =	simm.s32 $0x2200  }
0x34: {  	[tilespmem:s26], [sflag:$0x1] =	stream.indirect_vreg.gather [hbm4b:s8+s3], $0x80, v2, vm0, $0xb8;
	[tilespmem:$0x14200] =	vst v63  }
0x35: {  	s28 =	simm.s32 $0x2A00  }
0x36: {  	[tilespmem:s28], [sflag:$0x1] =	stream.indirect_vreg.gather [hbm4b:s9+s3], $0x80, v2, vm0, $0xb8;
	[tilespmem:$0x14200] =	vst v63  }
0x37: {  	s23 =	simm.s32 $0x3200  }
0x38: {  	[tilespmem:s23], [sflag:$0x1] =	stream.indirect_vreg.gather [hbm4b:s10+s3], $0x80, v2, vm0, $0xb8;
	[tilespmem:$0x14200] =	vst v63  }
0x39: {  	s24 =	simm.s32 $0x3A00  }
0x3a: {  	[tilespmem:s24], [sflag:$0x1] =	stream.indirect_vreg.gather [hbm4b:s11+s3], $0x80, v2, vm0, $0xb8;
	[tilespmem:$0x14200] =	vst v63  }
0x3b: {  	v2 =	vld.msk [tilespmem:$0x8], $0xff;
	_ =	sdelay $0x4  }
0x3c: {  	v3 =	vshll.u32 v2, $0x4  }
0x3d: {  	v2 =	vand.u32 $0x7, v2;
	v3 =	vand.u32 $0xFFFFFF80, v3  }
0x3e: {  	v2 =	vor.u32 v2, v3  }
0x3f: {  	v2 =	vperm.xlane v2, v0;
	_ =	sdelay $0x1  }
0x40: {  	v2 =	vadd.s32 v1, v2;
	_ =	sdelay $0x3  }
0x41: {  	s25 =	simm.s32 $0x4200  }
0x42: {  	[tilespmem:s25], [sflag:$0x2] =	stream.indirect_vreg.gather [hbm4b:s1+s3], $0x80, v2, vm0, $0xb8;
	[tilespmem:$0x14200] =	vst v63  }
0x43: {  	s26 =	simm.s32 $0x4A00  }
0x44: {  	[tilespmem:s26], [sflag:$0x2] =	stream.indirect_vreg.gather [hbm4b:s5+s3], $0x80, v2, vm0, $0xb8;
	[tilespmem:$0x14200] =	vst v63  }
0x45: {  	s28 =	simm.s32 $0x5200  }
0x46: {  	[tilespmem:s28], [sflag:$0x2] =	stream.indirect_vreg.gather [hbm4b:s6+s3], $0x80, v2, vm0, $0xb8;
	[tilespmem:$0x14200] =	vst v63  }
0x47: {  	s23 =	simm.s32 $0x5A00  }
0x48: {  	[tilespmem:s23], [sflag:$0x2] =	stream.indirect_vreg.gather [hbm4b:s7+s3], $0x80, v2, vm0, $0xb8;
	[tilespmem:$0x14200] =	vst v63  }
0x49: {  	s24 =	simm.s32 $0x6200  }
0x4a: {  	[tilespmem:s24], [sflag:$0x2] =	stream.indirect_vreg.gather [hbm4b:s8+s3], $0x80, v2, vm0, $0xb8;
	[tilespmem:$0x14200] =	vst v63  }
0x4b: {  	s25 =	simm.s32 $0x6A00  }
0x4c: {  	[tilespmem:s25], [sflag:$0x2] =	stream.indirect_vreg.gather [hbm4b:s9+s3], $0x80, v2, vm0, $0xb8;
	[tilespmem:$0x14200] =	vst v63  }
0x4d: {  	s26 =	simm.s32 $0x7200  }
0x4e: {  	[tilespmem:s26], [sflag:$0x2] =	stream.indirect_vreg.gather [hbm4b:s10+s3], $0x80, v2, vm0, $0xb8;
	[tilespmem:$0x14200] =	vst v63  }
0x4f: {  	s28 =	simm.s32 $0x7A00  }
0x50: {  	[tilespmem:s28], [sflag:$0x2] =	stream.indirect_vreg.gather [hbm4b:s11+s3], $0x80, v2, vm0, $0xb8;
	[tilespmem:$0x14200] =	vst v63  }
0x51: {  	v2 =	vld.msk [tilespmem:$0x10], $0xff;
	_ =	sdelay $0x4  }
0x52: {  	v3 =	vshll.u32 v2, $0x4  }
0x53: {  	v2 =	vand.u32 $0x7, v2;
	v3 =	vand.u32 $0xFFFFFF80, v3  }
0x54: {  	v2 =	vor.u32 v2, v3  }
0x55: {  	v2 =	vperm.xlane v2, v0;
	_ =	sdelay $0x1  }
0x56: {  	v2 =	vadd.s32 v1, v2;
	_ =	sdelay $0x3  }
0x57: {  	s23 =	simm.s32 $0x8200  }
0x58: {  	[tilespmem:s23], [sflag:$0x3] =	stream.indirect_vreg.gather [hbm4b:s1+s3], $0x80, v2, vm0, $0xb8;
	[tilespmem:$0x14200] =	vst v63  }
0x59: {  	s24 =	simm.s32 $0x8A00  }
0x5a: {  	[tilespmem:s24], [sflag:$0x3] =	stream.indirect_vreg.gather [hbm4b:s5+s3], $0x80, v2, vm0, $0xb8;
	[tilespmem:$0x14200] =	vst v63  }
0x5b: {  	s25 =	simm.s32 $0x9200  }
0x5c: {  	[tilespmem:s25], [sflag:$0x3] =	stream.indirect_vreg.gather [hbm4b:s6+s3], $0x80, v2, vm0, $0xb8;
	[tilespmem:$0x14200] =	vst v63  }
0x5d: {  	s26 =	simm.s32 $0x9A00  }
0x5e: {  	[tilespmem:s26], [sflag:$0x3] =	stream.indirect_vreg.gather [hbm4b:s7+s3], $0x80, v2, vm0, $0xb8;
	[tilespmem:$0x14200] =	vst v63  }
0x5f: {  	s28 =	simm.s32 $0xA200  }
0x60: {  	[tilespmem:s28], [sflag:$0x3] =	stream.indirect_vreg.gather [hbm4b:s8+s3], $0x80, v2, vm0, $0xb8;
	[tilespmem:$0x14200] =	vst v63  }
0x61: {  	s23 =	simm.s32 $0xAA00  }
0x62: {  	[tilespmem:s23], [sflag:$0x3] =	stream.indirect_vreg.gather [hbm4b:s9+s3], $0x80, v2, vm0, $0xb8;
	[tilespmem:$0x14200] =	vst v63  }
0x63: {  	s24 =	simm.s32 $0xB200  }
0x64: {  	[tilespmem:s24], [sflag:$0x3] =	stream.indirect_vreg.gather [hbm4b:s10+s3], $0x80, v2, vm0, $0xb8;
	[tilespmem:$0x14200] =	vst v63  }
0x65: {  	s25 =	simm.s32 $0xBA00  }
0x66: {  	[tilespmem:s25], [sflag:$0x3] =	stream.indirect_vreg.gather [hbm4b:s11+s3], $0x80, v2, vm0, $0xb8;
	[tilespmem:$0x14200] =	vst v63  }
0x67: {  	v2 =	vld.msk [tilespmem:$0x18], $0xff;
	_ =	sdelay $0x4  }
0x68: {  	v3 =	vshll.u32 v2, $0x4  }
0x69: {  	v2 =	vand.u32 $0x7, v2;
	v3 =	vand.u32 $0xFFFFFF80, v3  }
0x6a: {  	v2 =	vor.u32 v2, v3  }
0x6b: {  	v2 =	vperm.xlane v2, v0;
	_ =	sdelay $0x1  }
0x6c: {  	v2 =	vadd.s32 v1, v2;
	_ =	sdelay $0x4  }
0x6d: {  	[tilespmem:s21], [sflag:$0x4] =	stream.indirect_vreg.gather [hbm4b:s1+s3], $0x80, v2, vm0, $0xb8;
	[tilespmem:$0x14200] =	vst v63  }
0x6e: {  	s26 =	simm.s32 $0xCA00  }
0x6f: {  	[tilespmem:s26], [sflag:$0x4] =	stream.indirect_vreg.gather [hbm4b:s5+s3], $0x80, v2, vm0, $0xb8;
	[tilespmem:$0x14200] =	vst v63  }
0x70: {  	s28 =	simm.s32 $0xD200  }
0x71: {  	[tilespmem:s28], [sflag:$0x4] =	stream.indirect_vreg.gather [hbm4b:s6+s3], $0x80, v2, vm0, $0xb8;
	[tilespmem:$0x14200] =	vst v63  }
0x72: {  	s23 =	simm.s32 $0xDA00  }
0x73: {  	[tilespmem:s23], [sflag:$0x4] =	stream.indirect_vreg.gather [hbm4b:s7+s3], $0x80, v2, vm0, $0xb8;
	[tilespmem:$0x14200] =	vst v63  }
0x74: {  	s24 =	simm.s32 $0xE200  }
0x75: {  	[tilespmem:s24], [sflag:$0x4] =	stream.indirect_vreg.gather [hbm4b:s8+s3], $0x80, v2, vm0, $0xb8;
	[tilespmem:$0x14200] =	vst v63  }
0x76: {  	s25 =	simm.s32 $0xEA00  }
0x77: {  	[tilespmem:s25], [sflag:$0x4] =	stream.indirect_vreg.gather [hbm4b:s9+s3], $0x80, v2, vm0, $0xb8;
	[tilespmem:$0x14200] =	vst v63  }
0x78: {  	s26 =	simm.s32 $0xF200  }
0x79: {  	[tilespmem:s26], [sflag:$0x4] =	stream.indirect_vreg.gather [hbm4b:s10+s3], $0x80, v2, vm0, $0xb8;
	[tilespmem:$0x14200] =	vst v63  }
0x7a: {  	s22 =	simm.s32 $0x0;
	s28 =	simm.s32 $0xFA00;
	s24 =	simm.s32 $0x38  }
0x7b: {  	[tilespmem:s28], [sflag:$0x4] =	stream.indirect_vreg.gather [hbm4b:s11+s3], $0x80, v2, vm0, $0xb8;
	[tilespmem:$0x14200] =	vst v63  }
.LBB2_2:
0x7c: {  	_ =	swait.ge [sflag:s0], $0x4000  }
0x7d: {  	[sflag:s0] =	ssyncset.done $0x0  }
0x7e: {  	s23 =	sadd.s32 s22, s14;
	[sflag:s0] =	ssyncadd.s32 $0xFFFFC000  }
0x7f: {  	[hbm4b:s23+s3] =	stream.linear.scatter [tilespmem:s30], [sflag:$0x5], $0x4000, $0x38;
	[tilespmem:$0x14200] =	vst v63  }
0x80: {  	_ =	swait.ge [sflag:s18], $0x4000  }
0x81: {  	[sflag:s18] =	ssyncset.done $0x0  }
0x82: {  	p0 =	seq.s32 s22, $0x1E000;
	[sflag:s18] =	ssyncadd.s32 $0xFFFFC000  }
0x83: {  	v2 =	vld.msk @!p0 [tilespmem:s24+$0xFFFFFFE8], $0xff;
	_ =	sdelay $0x4  }
0x84: {  	v3 =	vshll.u32 @!p0 v2, $0x4  }
0x85: {  	v4 =	vlaneseq.u32 @!p0;
	v2 =	vand.u32 @!p0 $0x7, v2;
	v3 =	vand.u32 @!p0 $0xFFFFFF80, v3  }
0x86: {  	v2 =	vor.u32 @!p0 v2, v3;
	v3 =	vand.u32 @!p0 $0x7, v4;
	v4 =	vshrl.u32 @!p0 v4, $0x3  }
0x87: {  	v2 =	vperm.xlane @!p0 v2, v3;
	v4 =	vmul.u32 @!p0 $0x8, v4;
	_ =	sdelay $0x1  }
0x88: {  	v2 =	vadd.s32 @!p0 v4, v2;
	_ =	sdelay $0x3  }
0x89: {  	vm1 =	vmmov @!p0 $0xffff;
	s25 =	simm.s32 @!p0 $0x200;
	s23 =	simm.s32 @!p0 $0x0  }
0x8a: {  	[tilespmem:s25], [sflag:$0x1] =	stream.indirect_vreg.gather @!p0 [hbm4b:s1+s23], $0x80, v2, vm1, $0xb8;
	[tilespmem:$0x14200] =	vst v63  }
0x8b: {  	s25 =	simm.s32 @!p0 $0xA00  }
0x8c: {  	[tilespmem:s25], [sflag:$0x1] =	stream.indirect_vreg.gather @!p0 [hbm4b:s5+s23], $0x80, v2, vm1, $0xb8;
	[tilespmem:$0x14200] =	vst v63  }
0x8d: {  	s25 =	simm.s32 @!p0 $0x1200  }
0x8e: {  	[tilespmem:s25], [sflag:$0x1] =	stream.indirect_vreg.gather @!p0 [hbm4b:s6+s23], $0x80, v2, vm1, $0xb8;
	[tilespmem:$0x14200] =	vst v63  }
0x8f: {  	s25 =	simm.s32 @!p0 $0x1A00  }
0x90: {  	[tilespmem:s25], [sflag:$0x1] =	stream.indirect_vreg.gather @!p0 [hbm4b:s7+s23], $0x80, v2, vm1, $0xb8;
	[tilespmem:$0x14200] =	vst v63  }
0x91: {  	s25 =	simm.s32 @!p0 $0x2200  }
0x92: {  	[tilespmem:s25], [sflag:$0x1] =	stream.indirect_vreg.gather @!p0 [hbm4b:s8+s23], $0x80, v2, vm1, $0xb8;
	[tilespmem:$0x14200] =	vst v63  }
0x93: {  	s25 =	simm.s32 @!p0 $0x2A00  }
0x94: {  	[tilespmem:s25], [sflag:$0x1] =	stream.indirect_vreg.gather @!p0 [hbm4b:s9+s23], $0x80, v2, vm1, $0xb8;
	[tilespmem:$0x14200] =	vst v63  }
0x95: {  	s25 =	simm.s32 @!p0 $0x3200  }
0x96: {  	[tilespmem:s25], [sflag:$0x1] =	stream.indirect_vreg.gather @!p0 [hbm4b:s10+s23], $0x80, v2, vm1, $0xb8;
	[tilespmem:$0x14200] =	vst v63  }
0x97: {  	s25 =	simm.s32 @!p0 $0x3A00  }
0x98: {  	[tilespmem:s25], [sflag:$0x1] =	stream.indirect_vreg.gather @!p0 [hbm4b:s11+s23], $0x80, v2, vm1, $0xb8;
	[tilespmem:$0x14200] =	vst v63  }
0x99: {  	_ =	swait.ge [sflag:s4], $0x4000  }
0x9a: {  	p1 =	seq.s32 s22, $0x0;
	[sflag:s4] =	ssyncset.done $0x0  }
0x9b: {  	s25 =	simm.s32 @!p1 $0x7;
	[sflag:s4] =	ssyncadd.s32 $0xFFFFC000  }
0x9c: {  	_ =	swait.ge @!p1 [sflag:s25], $0x800  }
0x9d: {  	[sflag:s25] =	ssyncset.done @!p1 $0x0  }
0x9e: {  	s28 =	simm.s32 $0x4200;
	[sflag:s25] =	ssyncadd.s32 @!p1 $0xFFFFF800  }
0x9f: {  	[spmem:s12] =	stream.linear.scatter [tilespmem:s28], [sflag:$0x8], $0x4000, $0x38;
	[tilespmem:$0x14200] =	vst v63  }
0xa0: {  	s26 =	stileid.u32;
	_ =	swait.ge [sflag:s20], $0x4000  }
0xa1: {  	s25 =	sshll.u32 s26, $0x6;
	s26 =	sshrl.u32 s12, $0x3;
	[sflag:s20] =	ssyncset.done $0x0  }
0xa2: {  	s28 =	sadd.s32 s22, s17;
	s25 =	sor.u32 $0x1C07, s25;
	[sflag:s20] =	ssyncadd.s32 $0xFFFFC000  }
0xa3: {  	[hbm:s28], [sflag:s25] =	dma.local [spmem:s26], $0x800  }
0xa4: {  	v2 =	vld.msk @!p0 [tilespmem:s24+$0xFFFFFFF0], $0xff;
	_ =	sdelay $0x4  }
0xa5: {  	v5 =	vshll.u32 @!p0 v2, $0x4  }
0xa6: {  	v2 =	vand.u32 @!p0 $0x7, v2;
	v5 =	vand.u32 @!p0 $0xFFFFFF80, v5  }
0xa7: {  	v2 =	vor.u32 @!p0 v2, v5  }
0xa8: {  	v2 =	vperm.xlane @!p0 v2, v3;
	_ =	sdelay $0x1  }
0xa9: {  	v2 =	vadd.s32 @!p0 v4, v2;
	_ =	sdelay $0x3  }
0xaa: {  	s28 =	simm.s32 @!p0 $0x4200  }
0xab: {  	[tilespmem:s28], [sflag:$0x2] =	stream.indirect_vreg.gather @!p0 [hbm4b:s1+s23], $0x80, v2, vm1, $0xb8;
	[tilespmem:$0x14200] =	vst v63  }
0xac: {  	s28 =	simm.s32 @!p0 $0x4A00  }
0xad: {  	[tilespmem:s28], [sflag:$0x2] =	stream.indirect_vreg.gather @!p0 [hbm4b:s5+s23], $0x80, v2, vm1, $0xb8;
	[tilespmem:$0x14200] =	vst v63  }
0xae: {  	s28 =	simm.s32 @!p0 $0x5200  }
0xaf: {  	[tilespmem:s28], [sflag:$0x2] =	stream.indirect_vreg.gather @!p0 [hbm4b:s6+s23], $0x80, v2, vm1, $0xb8;
	[tilespmem:$0x14200] =	vst v63  }
0xb0: {  	s28 =	simm.s32 @!p0 $0x5A00  }
0xb1: {  	[tilespmem:s28], [sflag:$0x2] =	stream.indirect_vreg.gather @!p0 [hbm4b:s7+s23], $0x80, v2, vm1, $0xb8;
	[tilespmem:$0x14200] =	vst v63  }
0xb2: {  	s28 =	simm.s32 @!p0 $0x6200  }
0xb3: {  	[tilespmem:s28], [sflag:$0x2] =	stream.indirect_vreg.gather @!p0 [hbm4b:s8+s23], $0x80, v2, vm1, $0xb8;
	[tilespmem:$0x14200] =	vst v63  }
0xb4: {  	s28 =	simm.s32 @!p0 $0x6A00  }
0xb5: {  	[tilespmem:s28], [sflag:$0x2] =	stream.indirect_vreg.gather @!p0 [hbm4b:s9+s23], $0x80, v2, vm1, $0xb8;
	[tilespmem:$0x14200] =	vst v63  }
0xb6: {  	s28 =	simm.s32 @!p0 $0x7200  }
0xb7: {  	[tilespmem:s28], [sflag:$0x2] =	stream.indirect_vreg.gather @!p0 [hbm4b:s10+s23], $0x80, v2, vm1, $0xb8;
	[tilespmem:$0x14200] =	vst v63  }
0xb8: {  	s28 =	simm.s32 @!p0 $0x7A00  }
0xb9: {  	[tilespmem:s28], [sflag:$0x2] =	stream.indirect_vreg.gather @!p0 [hbm4b:s11+s23], $0x80, v2, vm1, $0xb8;
	[tilespmem:$0x14200] =	vst v63  }
0xba: {  	_ =	swait.ge [sflag:s13], $0x4000  }
0xbb: {  	[sflag:s13] =	ssyncset.done $0x0  }
0xbc: {  	s28 =	sadd.s32 s22, s16;
	[sflag:s13] =	ssyncadd.s32 $0xFFFFC000  }
0xbd: {  	[hbm4b:s28+s3] =	stream.linear.scatter [tilespmem:s31], [sflag:$0x6], $0x4000, $0x38;
	[tilespmem:$0x14200] =	vst v63  }
0xbe: {  	_ =	swait.ge [sflag:s2], $0x4000  }
0xbf: {  	[sflag:s2] =	ssyncset.done $0x0  }
0xc0: {  	[sflag:s2] =	ssyncadd.s32 $0xFFFFC000  }
0xc1: {  	v2 =	vld.msk @!p0 [tilespmem:s24+$0xFFFFFFF8], $0xff;
	_ =	sdelay $0x4  }
0xc2: {  	v5 =	vshll.u32 @!p0 v2, $0x4  }
0xc3: {  	v2 =	vand.u32 @!p0 $0x7, v2;
	v5 =	vand.u32 @!p0 $0xFFFFFF80, v5  }
0xc4: {  	v2 =	vor.u32 @!p0 v2, v5  }
0xc5: {  	v2 =	vperm.xlane @!p0 v2, v3;
	_ =	sdelay $0x1  }
0xc6: {  	v2 =	vadd.s32 @!p0 v4, v2;
	_ =	sdelay $0x3  }
0xc7: {  	s28 =	simm.s32 @!p0 $0x8200  }
0xc8: {  	[tilespmem:s28], [sflag:$0x3] =	stream.indirect_vreg.gather @!p0 [hbm4b:s1+s23], $0x80, v2, vm1, $0xb8;
	[tilespmem:$0x14200] =	vst v63  }
0xc9: {  	s28 =	simm.s32 @!p0 $0x8A00  }
0xca: {  	[tilespmem:s28], [sflag:$0x3] =	stream.indirect_vreg.gather @!p0 [hbm4b:s5+s23], $0x80, v2, vm1, $0xb8;
	[tilespmem:$0x14200] =	vst v63  }
0xcb: {  	s28 =	simm.s32 @!p0 $0x9200  }
0xcc: {  	[tilespmem:s28], [sflag:$0x3] =	stream.indirect_vreg.gather @!p0 [hbm4b:s6+s23], $0x80, v2, vm1, $0xb8;
	[tilespmem:$0x14200] =	vst v63  }
0xcd: {  	s28 =	simm.s32 @!p0 $0x9A00  }
0xce: {  	[tilespmem:s28], [sflag:$0x3] =	stream.indirect_vreg.gather @!p0 [hbm4b:s7+s23], $0x80, v2, vm1, $0xb8;
	[tilespmem:$0x14200] =	vst v63  }
0xcf: {  	s28 =	simm.s32 @!p0 $0xA200  }
0xd0: {  	[tilespmem:s28], [sflag:$0x3] =	stream.indirect_vreg.gather @!p0 [hbm4b:s8+s23], $0x80, v2, vm1, $0xb8;
	[tilespmem:$0x14200] =	vst v63  }
0xd1: {  	s28 =	simm.s32 @!p0 $0xAA00  }
0xd2: {  	[tilespmem:s28], [sflag:$0x3] =	stream.indirect_vreg.gather @!p0 [hbm4b:s9+s23], $0x80, v2, vm1, $0xb8;
	[tilespmem:$0x14200] =	vst v63  }
0xd3: {  	s28 =	simm.s32 @!p0 $0xB200  }
0xd4: {  	[tilespmem:s28], [sflag:$0x3] =	stream.indirect_vreg.gather @!p0 [hbm4b:s10+s23], $0x80, v2, vm1, $0xb8;
	[tilespmem:$0x14200] =	vst v63  }
0xd5: {  	s28 =	simm.s32 @!p0 $0xBA00  }
0xd6: {  	[tilespmem:s28], [sflag:$0x3] =	stream.indirect_vreg.gather @!p0 [hbm4b:s11+s23], $0x80, v2, vm1, $0xb8;
	[tilespmem:$0x14200] =	vst v63  }
0xd7: {  	_ =	swait.ge [sflag:s19], $0x4000  }
0xd8: {  	[sflag:s19] =	ssyncset.done $0x0  }
0xd9: {  	[sflag:s19] =	ssyncadd.s32 $0xFFFFC000  }
0xda: {  	_ =	swait.ge [sflag:s29], $0x800  }
0xdb: {  	[sflag:s29] =	ssyncset.done $0x0  }
0xdc: {  	[sflag:s29] =	ssyncadd.s32 $0xFFFFF800  }
0xdd: {  	[spmem:s12] =	stream.linear.scatter [tilespmem:s21], [sflag:$0x8], $0x4000, $0x38;
	[tilespmem:$0x14200] =	vst v63  }
.Ltmp2:
0xde: {  	_ = 	snop;
	(pc) =	sbr.rel @p0 .LBB2_4-.Ltmp2, $4  }
0xdf: {  	_ =	swait.ge [sflag:s20], $0x4000  }
0xe0: {  	[sflag:s20] =	ssyncset.done $0x0  }
0xe1: {  	s28 =	sadd.s32 s22, s15;
	[sflag:s20] =	ssyncadd.s32 $0xFFFFC000  }
0xe2: {  	[hbm:s28], [sflag:s25] =	dma.local [spmem:s26], $0x800  }
0xe3: {  	v2 =	vld.msk [tilespmem:s24+$0x0], $0xff;
	_ =	sdelay $0x4  }
0xe4: {  	v3 =	vshll.u32 v2, $0x4  }
0xe5: {  	v2 =	vand.u32 $0x7, v2;
	v3 =	vand.u32 $0xFFFFFF80, v3  }
0xe6: {  	v2 =	vor.u32 v2, v3  }
0xe7: {  	v2 =	vperm.xlane v2, v0;
	_ =	sdelay $0x1  }
0xe8: {  	v2 =	vadd.s32 v1, v2;
	_ =	sdelay $0x4  }
0xe9: {  	[tilespmem:s21], [sflag:$0x4] =	stream.indirect_vreg.gather [hbm4b:s1+s3], $0x80, v2, vm0, $0xb8;
	[tilespmem:$0x14200] =	vst v63  }
0xea: {  	s23 =	simm.s32 $0xCA00  }
0xeb: {  	[tilespmem:s23], [sflag:$0x4] =	stream.indirect_vreg.gather [hbm4b:s5+s3], $0x80, v2, vm0, $0xb8;
	[tilespmem:$0x14200] =	vst v63  }
0xec: {  	s25 =	simm.s32 $0xD200  }
0xed: {  	[tilespmem:s25], [sflag:$0x4] =	stream.indirect_vreg.gather [hbm4b:s6+s3], $0x80, v2, vm0, $0xb8;
	[tilespmem:$0x14200] =	vst v63  }
0xee: {  	s26 =	simm.s32 $0xDA00  }
0xef: {  	[tilespmem:s26], [sflag:$0x4] =	stream.indirect_vreg.gather [hbm4b:s7+s3], $0x80, v2, vm0, $0xb8;
	[tilespmem:$0x14200] =	vst v63  }
0xf0: {  	s28 =	simm.s32 $0xE200  }
0xf1: {  	[tilespmem:s28], [sflag:$0x4] =	stream.indirect_vreg.gather [hbm4b:s8+s3], $0x80, v2, vm0, $0xb8;
	[tilespmem:$0x14200] =	vst v63  }
0xf2: {  	s25 =	simm.s32 $0xEA00  }
0xf3: {  	[tilespmem:s25], [sflag:$0x4] =	stream.indirect_vreg.gather [hbm4b:s9+s3], $0x80, v2, vm0, $0xb8;
	[tilespmem:$0x14200] =	vst v63  }
.Ltmp3:
0xf4: {  	_ = 	snop;
	(pc) =	sbr.rel .LBB2_2-.Ltmp3, $4  }
0xf5: {  	s26 =	simm.s32 $0xF200  }
0xf6: {  	[tilespmem:s26], [sflag:$0x4] =	stream.indirect_vreg.gather [hbm4b:s10+s3], $0x80, v2, vm0, $0xb8;
	[tilespmem:$0x14200] =	vst v63  }
0xf7: {  	s22 =	sadd.s32 $0x2000, s22;
	s24 =	sadd.s32 $0x20, s24;
	s28 =	simm.s32 $0xFA00  }
0xf8: {  	[tilespmem:s28], [sflag:$0x4] =	stream.indirect_vreg.gather [hbm4b:s11+s3], $0x80, v2, vm0, $0xb8;
	[tilespmem:$0x14200] =	vst v63  }
.LBB2_5:
0xf9: {  	_ =	sfence.sel $0x180000  }
0xfa: {  	[bflag:$0x0] =	sbarrier.arrive $0xFFFF  }
0xfb: {  	_ =	strace $0x90000047  }
0xfc: {  	s0 =	stileid.u32;
	[bflag:$0x2] =	sbarrier.arrive $0xFFFF  }
0xfd: {  	p0 =	sne.s32 s0, $0x0;
	s0 =	rddreg [dreg:$0x4]  }
0xfe: {  	s0 =	sadd.s32 @!p0 $0x100000, s0  }
0xff: {  	[sflag:s0] =	ssyncadd.tile.s32 @!p0 $0x1;
	_ =	shalt  }
.Lfunc_end2:
_tile_overlayer_lowered:
.L_overlay_start_2:
0x100: {  	(tag) =	ssettag $0x2  }
0x101: {  	s0 =	rddreg [dreg:$0x0];
	s2 =	stileid.u32  }
0x102: {  	s1 =	rddreg [dreg:$0x1];
	p0 =	sne.s32 s2, $0x0  }
0x103: {  	s3 =	rddreg [dreg:$0x2];
	[bflag:$0x3] =	sbarrier.arrive $0xFFFF;
	s2 =	simm.s32 @!p0 $0x1C08  }
0x104: {  	[timem:s3], [sflag:s2] =	dma.local @!p0 [hbm:s0], s1  }
0x105: {  	s0 =	simm.s32 @!p0 $0x8  }
0x106: {  	_ =	swait.ge @!p0 [sflag:s0], s1  }
0x107: {  	s1 =	ssub.s32 @!p0 $0x0, s1;
	[sflag:s0] =	ssyncset.done @!p0 $0x0  }
0x108: {  	[sflag:s0] =	ssyncadd.s32 @!p0 s1  }
0x109: {  	[bflag:$0x3] =	sbarrier.arrive $0xFFFF  }
0x10a: {  	_ =	shalt  }

</sc_bundles>
